<compile_context>
chip_gen: v7x
topology: tpu7x:2x2x1
jax: 0.10.2.dev20260603
libtpu: 0.0.44.dev20260713+nightly
codegen_flags: <defaults>
</compile_context>

<pallas_src>
import jax
import jax.numpy as jnp
from jax import lax
from jax.experimental import pallas as pl
from jax.experimental.pallas import tpu as pltpu
from jax.experimental.pallas import tpu_sc as plsc

NUM_CLASSES = 16
TIMESTEPS = 300
N_TOKENS = 131072

NUM_CORES = 2
NUM_SUBCORES = 16
LANES = 16
NUM_WORKERS = NUM_CORES * NUM_SUBCORES
TOK_PER_WORKER = N_TOKENS // NUM_WORKERS
CHUNK = 2048
TAB = 304


def _sc_body(x0_hbm, t_hbm, qt_hbm, out_hbm,
             xa_v, xb_v, t_v, q_v, dotab_v,
             sem_ia, sem_ib, sem_oa, sem_ob, sem_t):
    cid = lax.axis_index("c")
    sid = lax.axis_index("s")
    wid = sid * NUM_CORES + cid
    base = wid * TOK_PER_WORKER

    in_a = pltpu.async_copy(x0_hbm.at[:, pl.ds(base, CHUNK)], xa_v, sem_ia)
    in_b = pltpu.async_copy(x0_hbm.at[:, pl.ds(base + CHUNK, CHUNK)], xb_v, sem_ib)
    t_cp = pltpu.async_copy(t_hbm.at[pl.ds(base, TOK_PER_WORKER)], t_v, sem_t)

    pltpu.sync_copy(qt_hbm.at[0], q_v)
    for g in range(TIMESTEPS // LANES):
        dotab_v[pl.ds(g * LANES, LANES)] = q_v[0, pl.ds(g * LANES, LANES)]
        dotab_v[pl.ds(TAB + g * LANES, LANES)] = q_v[1, pl.ds(g * LANES, LANES)]
    tail = TIMESTEPS - LANES
    dotab_v[pl.ds(tail, LANES)] = q_v[0, pl.ds(tail, LANES)]
    dotab_v[pl.ds(TAB + tail, LANES)] = q_v[1, pl.ds(tail, LANES)]

    t_cp.wait()

    def _compute(c, x_v):
        @plsc.parallel_loop(0, CHUNK // LANES, unroll=4)
        def block(g):
            tvec = t_v[pl.ds(c * CHUNK + g * LANES, LANES)]
            d = plsc.load_gather(dotab_v, [tvec])
            o = plsc.load_gather(dotab_v, [tvec + TAB])
            w = d - o
            rs = [x_v[j, pl.ds(g * LANES, LANES)] for j in range(NUM_CLASSES)]
            acc = rs
            while len(acc) > 1:
                acc = [a + b for a, b in zip(acc[::2], acc[1::2])]
            os = o * acc[0]
            for j in range(NUM_CLASSES):
                x_v[j, pl.ds(g * LANES, LANES)] = w * rs[j] + os

    in_a.wait()
    _compute(0, xa_v)
    out_a = pltpu.async_copy(xa_v, out_hbm.at[:, pl.ds(base, CHUNK)], sem_oa)
    in_b.wait()
    _compute(1, xb_v)
    out_b = pltpu.async_copy(xb_v, out_hbm.at[:, pl.ds(base + CHUNK, CHUNK)], sem_ob)
    out_a.wait()
    out_b.wait()


@jax.jit
def _run(x0t, t, qtp):
    mesh = plsc.VectorSubcoreMesh(core_axis_name="c", subcore_axis_name="s")
    return pl.kernel(
        _sc_body,
        out_type=jax.ShapeDtypeStruct((NUM_CLASSES, N_TOKENS), jnp.float32),
        mesh=mesh,
        scratch_types=[
            pltpu.VMEM((NUM_CLASSES, CHUNK), jnp.float32),
            pltpu.VMEM((NUM_CLASSES, CHUNK), jnp.float32),
            pltpu.VMEM((TOK_PER_WORKER,), jnp.int32),
            pltpu.VMEM((NUM_CLASSES, TIMESTEPS), jnp.float32),
            pltpu.VMEM((2 * TAB,), jnp.float32),
            pltpu.SemaphoreType.DMA,
            pltpu.SemaphoreType.DMA,
            pltpu.SemaphoreType.DMA,
            pltpu.SemaphoreType.DMA,
            pltpu.SemaphoreType.DMA,
        ],
        compiler_params=pltpu.CompilerParams(needs_layout_passes=False),
    )(x0t, t, qtp)


def kernel(x0, t, Qt_bar):
    out_t = _run(x0.T, t.astype(jnp.int32), jnp.transpose(Qt_bar, (1, 2, 0)))
    return out_t.T

# --- scband reference (transcript-rebuilt; emitter-appended) ---
"""Pipeline reference for scband-categorical-uniform-kernel-60705067762013 (READ-ONLY COPY).

The authoritative reference and input builder live on the scoring server;
editing this copy changes nothing except your own understanding.
"""

import jax, jax.numpy as jnp
import numpy as np

NUM_CLASSES = 16
TIMESTEPS = 300
N_TOKENS = 131072


def _cosine_beta_schedule(T, s=0.008):
    steps = np.arange(T + 1, dtype=np.float64)
    abar = np.cos(((steps / T) + s) / (1.0 + s) * np.pi / 2.0) ** 2
    abar = abar / abar[0]
    betas = 1.0 - (abar[1:] / abar[:-1])
    return np.clip(betas, 0.0, 0.999)


def _build_qt_bar(num_classes, timesteps):
    betas = _cosine_beta_schedule(timesteps)
    alphas = 1.0 - betas
    K = num_classes
    eye = np.eye(K)
    ones = np.ones((K, K))
    Qs = [eye * a + (1.0 - a) / K * ones for a in alphas]
    Q_prev = np.eye(K)
    Qs_bar = []
    for i in range(timesteps):
        Q_prev = Q_prev @ Qs[i]
        Qs_bar.append(Q_prev)
    return np.stack(Qs_bar).astype(np.float32)


def setup_inputs(seed: int = 0) -> dict:
    key = jax.random.key(seed)
    k1, k2 = jax.random.split(key)
    x0 = jax.random.uniform(k1, (N_TOKENS, NUM_CLASSES), dtype=jnp.float32)
    t = jax.random.randint(k2, (N_TOKENS,), 0, TIMESTEPS).astype(jnp.int64)
    Qt_bar = jnp.asarray(_build_qt_bar(NUM_CLASSES, TIMESTEPS))
    return {"x0": x0, "t": t, "Qt_bar": Qt_bar}


def reference(x0, t, Qt_bar):
    # marginal_prob: q(xt | x0) = x0_j . Qt_bar[t]_{ji}
    # Qt_bar[t] is a per-token gather of a KxK matrix (embedding-style lookup)
    gathered = jnp.take(Qt_bar, t, axis=0)  # (n, K, K)
    probs = jnp.einsum('nj,nji->ni', x0, gathered)
    return probs

if __name__ == "__main__":
    import jax
    _d = setup_inputs()
    print(jax.jit(kernel)(*tuple(_d.values())))

</pallas_src>

<mosaic_0001>
#map = affine_map<(d0, d1) -> (0, 0)>
#map1 = affine_map<(d0, d1) -> (0)>
#map2 = affine_map<(d0, d1) -> (0, 0, 0)>
module attributes {stable_mosaic.version = 14 : i64} {
  func.func @_sc_body(%arg0: i32, %arg1: i32, %arg2: memref<16x131072xf32, #tpu.memory_space<hbm>>, %arg3: memref<131072xi32, #tpu.memory_space<hbm>>, %arg4: memref<16x16x300xf32, #tpu.memory_space<hbm>>, %arg5: memref<16x131072xf32, #tpu.memory_space<hbm>>, %arg6: memref<16x2048xf32, #tpu.memory_space<vmem>>, %arg7: memref<16x2048xf32, #tpu.memory_space<vmem>>, %arg8: memref<4096xi32, #tpu.memory_space<vmem>>, %arg9: memref<16x300xf32, #tpu.memory_space<vmem>>, %arg10: memref<608xf32, #tpu.memory_space<vmem>>, %arg11: memref<!tpu.dma_semaphore, #tpu.memory_space<semaphore_mem>>, %arg12: memref<!tpu.dma_semaphore, #tpu.memory_space<semaphore_mem>>, %arg13: memref<!tpu.dma_semaphore, #tpu.memory_space<semaphore_mem>>, %arg14: memref<!tpu.dma_semaphore, #tpu.memory_space<semaphore_mem>>, %arg15: memref<!tpu.dma_semaphore, #tpu.memory_space<semaphore_mem>>) attributes {dimension_semantics = [#tpu.dimension_semantics<core_parallel>, #tpu.dimension_semantics<subcore_parallel>], iteration_bounds = array<i64: 2, 16>, scalar_prefetch = 0 : i64, scratch_operands = 10 : i64, tpu.core_type = #tpu.core_type<sc_vector_subcore>, window_params = [{transform_indices = #map}, {transform_indices = #map1}, {transform_indices = #map2}, {transform_indices = #map}]} {
    %mul3A = arith.constant 2 : i32
    %mul3A_0 = arith.muli %arg1, %mul3A : i32
    %add3A = arith.addi %mul3A_0, %arg0 : i32
    %mul3A_1 = arith.constant 4096 : i32
    %mul3A_2 = arith.muli %add3A, %mul3A_1 : i32
    %dma_start3A = arith.constant 0 : i32
    %dma_start3A_3 = tpu.memref_slice %arg2[%dma_start3A, %mul3A_2] : memref<16x131072xf32, #tpu.memory_space<hbm>> -> memref<16x2048xf32, #tpu.memory_space<hbm>>
    %dma_start3A_4 = arith.constant 0 : i32
    %dma_start3A_5 = tpu.memref_slice %arg2[%dma_start3A_4, %mul3A_2] : memref<16x131072xf32, #tpu.memory_space<hbm>> -> memref<16x2048xf32, #tpu.memory_space<hbm>>
    tpu.enqueue_dma source(%dma_start3A_5 : memref<16x2048xf32, #tpu.memory_space<hbm>>) target(%arg6 : memref<16x2048xf32, #tpu.memory_space<vmem>>) target_semaphore(%arg11 : memref<!tpu.dma_semaphore, #tpu.memory_space<semaphore_mem>>)
    %add3A_6 = arith.constant 2048 : i32
    %add3A_7 = arith.addi %mul3A_2, %add3A_6 : i32
    %dma_start3A_8 = arith.constant 0 : i32
    %dma_start3A_9 = tpu.memref_slice %arg2[%dma_start3A_8, %add3A_7] : memref<16x131072xf32, #tpu.memory_space<hbm>> -> memref<16x2048xf32, #tpu.memory_space<hbm>>
    %dma_start3A_10 = arith.constant 0 : i32
    %dma_start3A_11 = tpu.memref_slice %arg2[%dma_start3A_10, %add3A_7] : memref<16x131072xf32, #tpu.memory_space<hbm>> -> memref<16x2048xf32, #tpu.memory_space<hbm>>
    tpu.enqueue_dma source(%dma_start3A_11 : memref<16x2048xf32, #tpu.memory_space<hbm>>) target(%arg7 : memref<16x2048xf32, #tpu.memory_space<vmem>>) target_semaphore(%arg12 : memref<!tpu.dma_semaphore, #tpu.memory_space<semaphore_mem>>)
    %dma_start3A_12 = tpu.memref_slice %arg3[%mul3A_2] : memref<131072xi32, #tpu.memory_space<hbm>> -> memref<4096xi32, #tpu.memory_space<hbm>>
    %dma_start3A_13 = tpu.memref_slice %arg3[%mul3A_2] : memref<131072xi32, #tpu.memory_space<hbm>> -> memref<4096xi32, #tpu.memory_space<hbm>>
    tpu.enqueue_dma source(%dma_start3A_13 : memref<4096xi32, #tpu.memory_space<hbm>>) target(%arg8 : memref<4096xi32, #tpu.memory_space<vmem>>) target_semaphore(%arg15 : memref<!tpu.dma_semaphore, #tpu.memory_space<semaphore_mem>>)
    %run_scoped3A = arith.constant 0 : i32
    "tpu.region"() ({
      %run_scoped3A_272 = tpu.sem_alloc : memref<!tpu.dma_semaphore, #tpu.memory_space<semaphore_mem>>
      %dma_start3A_273 = arith.constant 0 : i32
      %dma_start3A_274 = arith.constant 0 : i32
      %dma_start3A_275 = tpu.memref_slice %arg4[%run_scoped3A, %dma_start3A_273, %dma_start3A_274] : memref<16x16x300xf32, #tpu.memory_space<hbm>> -> memref<1x16x300xf32, #tpu.memory_space<hbm>>
      %dma_start3A_276 = tpu.memref_squeeze %dma_start3A_275 : memref<1x16x300xf32, #tpu.memory_space<hbm>> -> memref<16x300xf32, #tpu.memory_space<hbm>>
      %dma_start3A_277 = arith.constant 0 : i32
      %dma_start3A_278 = arith.constant 0 : i32
      %dma_start3A_279 = tpu.memref_slice %arg4[%run_scoped3A, %dma_start3A_277, %dma_start3A_278] : memref<16x16x300xf32, #tpu.memory_space<hbm>> -> memref<1x16x300xf32, #tpu.memory_space<hbm>>
      %dma_start3A_280 = tpu.memref_squeeze %dma_start3A_279 : memref<1x16x300xf32, #tpu.memory_space<hbm>> -> memref<16x300xf32, #tpu.memory_space<hbm>>
      tpu.enqueue_dma source(%dma_start3A_280 : memref<16x300xf32, #tpu.memory_space<hbm>>) target(%arg9 : memref<16x300xf32, #tpu.memory_space<vmem>>) target_semaphore(%run_scoped3A_272 : memref<!tpu.dma_semaphore, #tpu.memory_space<semaphore_mem>>)
      %dma_wait3A_281 = arith.constant 0 : i32
      %dma_wait3A_282 = arith.constant 0 : i32
      %dma_wait3A_283 = tpu.memref_slice %arg4[%run_scoped3A, %dma_wait3A_281, %dma_wait3A_282] : memref<16x16x300xf32, #tpu.memory_space<hbm>> -> memref<1x16x300xf32, #tpu.memory_space<hbm>>
      %dma_wait3A_284 = tpu.memref_squeeze %dma_wait3A_283 : memref<1x16x300xf32, #tpu.memory_space<hbm>> -> memref<16x300xf32, #tpu.memory_space<hbm>>
      %dma_wait3A_285 = arith.constant 0 : i32
      %dma_wait3A_286 = arith.constant 0 : i32
      %dma_wait3A_287 = tpu.memref_slice %arg4[%run_scoped3A, %dma_wait3A_285, %dma_wait3A_286] : memref<16x16x300xf32, #tpu.memory_space<hbm>> -> memref<1x16x300xf32, #tpu.memory_space<hbm>>
      %dma_wait3A_288 = tpu.memref_squeeze %dma_wait3A_287 : memref<1x16x300xf32, #tpu.memory_space<hbm>> -> memref<16x300xf32, #tpu.memory_space<hbm>>
      tpu.wait_dma2 semaphore(%run_scoped3A_272 : memref<!tpu.dma_semaphore, #tpu.memory_space<semaphore_mem>>) src(%dma_wait3A_288 : memref<16x300xf32, #tpu.memory_space<hbm>>) dst(%arg9 : memref<16x300xf32, #tpu.memory_space<vmem>>)
      tpu.yield
    }) : () -> ()
    %get3A = arith.constant 0 : i32
    %get3A_14 = arith.index_cast %get3A : i32 to index
    %get3A_15 = arith.constant 0 : index
    %get3A_16 = tpu.vector_load %arg9[%get3A_14, %get3A_15] {strides = array<i32>} : memref<16x300xf32, #tpu.memory_space<vmem>>, vector<16xf32>,
    %swap3A = arith.constant 0 : index
    %swap3A_17 = tpu.vector_load %arg10[%swap3A] {strides = array<i32>} : memref<608xf32, #tpu.memory_space<vmem>>, vector<16xf32>,
    tpu.vector_store %arg10[%swap3A], %get3A_16 {strides = array<i32>} : memref<608xf32, #tpu.memory_space<vmem>>, vector<16xf32>,
    %get3A_18 = arith.constant 1 : i32
    %get3A_19 = arith.index_cast %get3A_18 : i32 to index
    %get3A_20 = arith.constant 0 : index
    %get3A_21 = tpu.vector_load %arg9[%get3A_19, %get3A_20] {strides = array<i32>} : memref<16x300xf32, #tpu.memory_space<vmem>>, vector<16xf32>,
    %swap3A_22 = arith.constant 304 : index
    %swap3A_23 = tpu.vector_load %arg10[%swap3A_22] {strides = array<i32>} : memref<608xf32, #tpu.memory_space<vmem>>, vector<16xf32>,
    tpu.vector_store %arg10[%swap3A_22], %get3A_21 {strides = array<i32>} : memref<608xf32, #tpu.memory_space<vmem>>, vector<16xf32>,
    %get3A_24 = arith.constant 0 : i32
    %get3A_25 = arith.index_cast %get3A_24 : i32 to index
    %get3A_26 = arith.constant 16 : index
    %get3A_27 = tpu.vector_load %arg9[%get3A_25, %get3A_26] {strides = array<i32>} : memref<16x300xf32, #tpu.memory_space<vmem>>, vector<16xf32>,
    %swap3A_28 = arith.constant 16 : index
    %swap3A_29 = tpu.vector_load %arg10[%swap3A_28] {strides = array<i32>} : memref<608xf32, #tpu.memory_space<vmem>>, vector<16xf32>,
    tpu.vector_store %arg10[%swap3A_28], %get3A_27 {strides = array<i32>} : memref<608xf32, #tpu.memory_space<vmem>>, vector<16xf32>,
    %get3A_30 = arith.constant 1 : i32
    %get3A_31 = arith.index_cast %get3A_30 : i32 to index
    %get3A_32 = arith.constant 16 : index
    %get3A_33 = tpu.vector_load %arg9[%get3A_31, %get3A_32] {strides = array<i32>} : memref<16x300xf32, #tpu.memory_space<vmem>>, vector<16xf32>,
    %swap3A_34 = arith.constant 320 : index
    %swap3A_35 = tpu.vector_load %arg10[%swap3A_34] {strides = array<i32>} : memref<608xf32, #tpu.memory_space<vmem>>, vector<16xf32>,
    tpu.vector_store %arg10[%swap3A_34], %get3A_33 {strides = array<i32>} : memref<608xf32, #tpu.memory_space<vmem>>, vector<16xf32>,
    %get3A_36 = arith.constant 0 : i32
    %get3A_37 = arith.index_cast %get3A_36 : i32 to index
    %get3A_38 = arith.constant 32 : index
    %get3A_39 = tpu.vector_load %arg9[%get3A_37, %get3A_38] {strides = array<i32>} : memref<16x300xf32, #tpu.memory_space<vmem>>, vector<16xf32>,
    %swap3A_40 = arith.constant 32 : index
    %swap3A_41 = tpu.vector_load %arg10[%swap3A_40] {strides = array<i32>} : memref<608xf32, #tpu.memory_space<vmem>>, vector<16xf32>,
    tpu.vector_store %arg10[%swap3A_40], %get3A_39 {strides = array<i32>} : memref<608xf32, #tpu.memory_space<vmem>>, vector<16xf32>,
    %get3A_42 = arith.constant 1 : i32
    %get3A_43 = arith.index_cast %get3A_42 : i32 to index
    %get3A_44 = arith.constant 32 : index
    %get3A_45 = tpu.vector_load %arg9[%get3A_43, %get3A_44] {strides = array<i32>} : memref<16x300xf32, #tpu.memory_space<vmem>>, vector<16xf32>,
    %swap3A_46 = arith.constant 336 : index
    %swap3A_47 = tpu.vector_load %arg10[%swap3A_46] {strides = array<i32>} : memref<608xf32, #tpu.memory_space<vmem>>, vector<16xf32>,
    tpu.vector_store %arg10[%swap3A_46], %get3A_45 {strides = array<i32>} : memref<608xf32, #tpu.memory_space<vmem>>, vector<16xf32>,
    %get3A_48 = arith.constant 0 : i32
    %get3A_49 = arith.index_cast %get3A_48 : i32 to index
    %get3A_50 = arith.constant 48 : index
    %get3A_51 = tpu.vector_load %arg9[%get3A_49, %get3A_50] {strides = array<i32>} : memref<16x300xf32, #tpu.memory_space<vmem>>, vector<16xf32>,
    %swap3A_52 = arith.constant 48 : index
    %swap3A_53 = tpu.vector_load %arg10[%swap3A_52] {strides = array<i32>} : memref<608xf32, #tpu.memory_space<vmem>>, vector<16xf32>,
    tpu.vector_store %arg10[%swap3A_52], %get3A_51 {strides = array<i32>} : memref<608xf32, #tpu.memory_space<vmem>>, vector<16xf32>,
    %get3A_54 = arith.constant 1 : i32
    %get3A_55 = arith.index_cast %get3A_54 : i32 to index
    %get3A_56 = arith.constant 48 : index
    %get3A_57 = tpu.vector_load %arg9[%get3A_55, %get3A_56] {strides = array<i32>} : memref<16x300xf32, #tpu.memory_space<vmem>>, vector<16xf32>,
    %swap3A_58 = arith.constant 352 : index
    %swap3A_59 = tpu.vector_load %arg10[%swap3A_58] {strides = array<i32>} : memref<608xf32, #tpu.memory_space<vmem>>, vector<16xf32>,
    tpu.vector_store %arg10[%swap3A_58], %get3A_57 {strides = array<i32>} : memref<608xf32, #tpu.memory_space<vmem>>, vector<16xf32>,
    %get3A_60 = arith.constant 0 : i32
    %get3A_61 = arith.index_cast %get3A_60 : i32 to index
    %get3A_62 = arith.constant 64 : index
    %get3A_63 = tpu.vector_load %arg9[%get3A_61, %get3A_62] {strides = array<i32>} : memref<16x300xf32, #tpu.memory_space<vmem>>, vector<16xf32>,
    %swap3A_64 = arith.constant 64 : index
    %swap3A_65 = tpu.vector_load %arg10[%swap3A_64] {strides = array<i32>} : memref<608xf32, #tpu.memory_space<vmem>>, vector<16xf32>,
    tpu.vector_store %arg10[%swap3A_64], %get3A_63 {strides = array<i32>} : memref<608xf32, #tpu.memory_space<vmem>>, vector<16xf32>,
    %get3A_66 = arith.constant 1 : i32
    %get3A_67 = arith.index_cast %get3A_66 : i32 to index
    %get3A_68 = arith.constant 64 : index
    %get3A_69 = tpu.vector_load %arg9[%get3A_67, %get3A_68] {strides = array<i32>} : memref<16x300xf32, #tpu.memory_space<vmem>>, vector<16xf32>,
    %swap3A_70 = arith.constant 368 : index
    %swap3A_71 = tpu.vector_load %arg10[%swap3A_70] {strides = array<i32>} : memref<608xf32, #tpu.memory_space<vmem>>, vector<16xf32>,
    tpu.vector_store %arg10[%swap3A_70], %get3A_69 {strides = array<i32>} : memref<608xf32, #tpu.memory_space<vmem>>, vector<16xf32>,
    %get3A_72 = arith.constant 0 : i32
    %get3A_73 = arith.index_cast %get3A_72 : i32 to index
    %get3A_74 = arith.constant 80 : index
    %get3A_75 = tpu.vector_load %arg9[%get3A_73, %get3A_74] {strides = array<i32>} : memref<16x300xf32, #tpu.memory_space<vmem>>, vector<16xf32>,
    %swap3A_76 = arith.constant 80 : index
    %swap3A_77 = tpu.vector_load %arg10[%swap3A_76] {strides = array<i32>} : memref<608xf32, #tpu.memory_space<vmem>>, vector<16xf32>,
    tpu.vector_store %arg10[%swap3A_76], %get3A_75 {strides = array<i32>} : memref<608xf32, #tpu.memory_space<vmem>>, vector<16xf32>,
    %get3A_78 = arith.constant 1 : i32
    %get3A_79 = arith.index_cast %get3A_78 : i32 to index
    %get3A_80 = arith.constant 80 : index
    %get3A_81 = tpu.vector_load %arg9[%get3A_79, %get3A_80] {strides = array<i32>} : memref<16x300xf32, #tpu.memory_space<vmem>>, vector<16xf32>,
    %swap3A_82 = arith.constant 384 : index
    %swap3A_83 = tpu.vector_load %arg10[%swap3A_82] {strides = array<i32>} : memref<608xf32, #tpu.memory_space<vmem>>, vector<16xf32>,
    tpu.vector_store %arg10[%swap3A_82], %get3A_81 {strides = array<i32>} : memref<608xf32, #tpu.memory_space<vmem>>, vector<16xf32>,
    %get3A_84 = arith.constant 0 : i32
    %get3A_85 = arith.index_cast %get3A_84 : i32 to index
    %get3A_86 = arith.constant 96 : index
    %get3A_87 = tpu.vector_load %arg9[%get3A_85, %get3A_86] {strides = array<i32>} : memref<16x300xf32, #tpu.memory_space<vmem>>, vector<16xf32>,
    %swap3A_88 = arith.constant 96 : index
    %swap3A_89 = tpu.vector_load %arg10[%swap3A_88] {strides = array<i32>} : memref<608xf32, #tpu.memory_space<vmem>>, vector<16xf32>,
    tpu.vector_store %arg10[%swap3A_88], %get3A_87 {strides = array<i32>} : memref<608xf32, #tpu.memory_space<vmem>>, vector<16xf32>,
    %get3A_90 = arith.constant 1 : i32
    %get3A_91 = arith.index_cast %get3A_90 : i32 to index
    %get3A_92 = arith.constant 96 : index
    %get3A_93 = tpu.vector_load %arg9[%get3A_91, %get3A_92] {strides = array<i32>} : memref<16x300xf32, #tpu.memory_space<vmem>>, vector<16xf32>,
    %swap3A_94 = arith.constant 400 : index
    %swap3A_95 = tpu.vector_load %arg10[%swap3A_94] {strides = array<i32>} : memref<608xf32, #tpu.memory_space<vmem>>, vector<16xf32>,
    tpu.vector_store %arg10[%swap3A_94], %get3A_93 {strides = array<i32>} : memref<608xf32, #tpu.memory_space<vmem>>, vector<16xf32>,
    %get3A_96 = arith.constant 0 : i32
    %get3A_97 = arith.index_cast %get3A_96 : i32 to index
    %get3A_98 = arith.constant 112 : index
    %get3A_99 = tpu.vector_load %arg9[%get3A_97, %get3A_98] {strides = array<i32>} : memref<16x300xf32, #tpu.memory_space<vmem>>, vector<16xf32>,
    %swap3A_100 = arith.constant 112 : index
    %swap3A_101 = tpu.vector_load %arg10[%swap3A_100] {strides = array<i32>} : memref<608xf32, #tpu.memory_space<vmem>>, vector<16xf32>,
    tpu.vector_store %arg10[%swap3A_100], %get3A_99 {strides = array<i32>} : memref<608xf32, #tpu.memory_space<vmem>>, vector<16xf32>,
    %get3A_102 = arith.constant 1 : i32
    %get3A_103 = arith.index_cast %get3A_102 : i32 to index
    %get3A_104 = arith.constant 112 : index
    %get3A_105 = tpu.vector_load %arg9[%get3A_103, %get3A_104] {strides = array<i32>} : memref<16x300xf32, #tpu.memory_space<vmem>>, vector<16xf32>,
    %swap3A_106 = arith.constant 416 : index
    %swap3A_107 = tpu.vector_load %arg10[%swap3A_106] {strides = array<i32>} : memref<608xf32, #tpu.memory_space<vmem>>, vector<16xf32>,
    tpu.vector_store %arg10[%swap3A_106], %get3A_105 {strides = array<i32>} : memref<608xf32, #tpu.memory_space<vmem>>, vector<16xf32>,
    %get3A_108 = arith.constant 0 : i32
    %get3A_109 = arith.index_cast %get3A_108 : i32 to index
    %get3A_110 = arith.constant 128 : index
    %get3A_111 = tpu.vector_load %arg9[%get3A_109, %get3A_110] {strides = array<i32>} : memref<16x300xf32, #tpu.memory_space<vmem>>, vector<16xf32>,
    %swap3A_112 = arith.constant 128 : index
    %swap3A_113 = tpu.vector_load %arg10[%swap3A_112] {strides = array<i32>} : memref<608xf32, #tpu.memory_space<vmem>>, vector<16xf32>,
    tpu.vector_store %arg10[%swap3A_112], %get3A_111 {strides = array<i32>} : memref<608xf32, #tpu.memory_space<vmem>>, vector<16xf32>,
    %get3A_114 = arith.constant 1 : i32
    %get3A_115 = arith.index_cast %get3A_114 : i32 to index
    %get3A_116 = arith.constant 128 : index
    %get3A_117 = tpu.vector_load %arg9[%get3A_115, %get3A_116] {strides = array<i32>} : memref<16x300xf32, #tpu.memory_space<vmem>>, vector<16xf32>,
    %swap3A_118 = arith.constant 432 : index
    %swap3A_119 = tpu.vector_load %arg10[%swap3A_118] {strides = array<i32>} : memref<608xf32, #tpu.memory_space<vmem>>, vector<16xf32>,
    tpu.vector_store %arg10[%swap3A_118], %get3A_117 {strides = array<i32>} : memref<608xf32, #tpu.memory_space<vmem>>, vector<16xf32>,
    %get3A_120 = arith.constant 0 : i32
    %get3A_121 = arith.index_cast %get3A_120 : i32 to index
    %get3A_122 = arith.constant 144 : index
    %get3A_123 = tpu.vector_load %arg9[%get3A_121, %get3A_122] {strides = array<i32>} : memref<16x300xf32, #tpu.memory_space<vmem>>, vector<16xf32>,
    %swap3A_124 = arith.constant 144 : index
    %swap3A_125 = tpu.vector_load %arg10[%swap3A_124] {strides = array<i32>} : memref<608xf32, #tpu.memory_space<vmem>>, vector<16xf32>,
    tpu.vector_store %arg10[%swap3A_124], %get3A_123 {strides = array<i32>} : memref<608xf32, #tpu.memory_space<vmem>>, vector<16xf32>,
    %get3A_126 = arith.constant 1 : i32
    %get3A_127 = arith.index_cast %get3A_126 : i32 to index
    %get3A_128 = arith.constant 144 : index
    %get3A_129 = tpu.vector_load %arg9[%get3A_127, %get3A_128] {strides = array<i32>} : memref<16x300xf32, #tpu.memory_space<vmem>>, vector<16xf32>,
    %swap3A_130 = arith.constant 448 : index
    %swap3A_131 = tpu.vector_load %arg10[%swap3A_130] {strides = array<i32>} : memref<608xf32, #tpu.memory_space<vmem>>, vector<16xf32>,
    tpu.vector_store %arg10[%swap3A_130], %get3A_129 {strides = array<i32>} : memref<608xf32, #tpu.memory_space<vmem>>, vector<16xf32>,
    %get3A_132 = arith.constant 0 : i32
    %get3A_133 = arith.index_cast %get3A_132 : i32 to index
    %get3A_134 = arith.constant 160 : index
    %get3A_135 = tpu.vector_load %arg9[%get3A_133, %get3A_134] {strides = array<i32>} : memref<16x300xf32, #tpu.memory_space<vmem>>, vector<16xf32>,
    %swap3A_136 = arith.constant 160 : index
    %swap3A_137 = tpu.vector_load %arg10[%swap3A_136] {strides = array<i32>} : memref<608xf32, #tpu.memory_space<vmem>>, vector<16xf32>,
    tpu.vector_store %arg10[%swap3A_136], %get3A_135 {strides = array<i32>} : memref<608xf32, #tpu.memory_space<vmem>>, vector<16xf32>,
    %get3A_138 = arith.constant 1 : i32
    %get3A_139 = arith.index_cast %get3A_138 : i32 to index
    %get3A_140 = arith.constant 160 : index
    %get3A_141 = tpu.vector_load %arg9[%get3A_139, %get3A_140] {strides = array<i32>} : memref<16x300xf32, #tpu.memory_space<vmem>>, vector<16xf32>,
    %swap3A_142 = arith.constant 464 : index
    %swap3A_143 = tpu.vector_load %arg10[%swap3A_142] {strides = array<i32>} : memref<608xf32, #tpu.memory_space<vmem>>, vector<16xf32>,
    tpu.vector_store %arg10[%swap3A_142], %get3A_141 {strides = array<i32>} : memref<608xf32, #tpu.memory_space<vmem>>, vector<16xf32>,
    %get3A_144 = arith.constant 0 : i32
    %get3A_145 = arith.index_cast %get3A_144 : i32 to index
    %get3A_146 = arith.constant 176 : index
    %get3A_147 = tpu.vector_load %arg9[%get3A_145, %get3A_146] {strides = array<i32>} : memref<16x300xf32, #tpu.memory_space<vmem>>, vector<16xf32>,
    %swap3A_148 = arith.constant 176 : index
    %swap3A_149 = tpu.vector_load %arg10[%swap3A_148] {strides = array<i32>} : memref<608xf32, #tpu.memory_space<vmem>>, vector<16xf32>,
    tpu.vector_store %arg10[%swap3A_148], %get3A_147 {strides = array<i32>} : memref<608xf32, #tpu.memory_space<vmem>>, vector<16xf32>,
    %get3A_150 = arith.constant 1 : i32
    %get3A_151 = arith.index_cast %get3A_150 : i32 to index
    %get3A_152 = arith.constant 176 : index
    %get3A_153 = tpu.vector_load %arg9[%get3A_151, %get3A_152] {strides = array<i32>} : memref<16x300xf32, #tpu.memory_space<vmem>>, vector<16xf32>,
    %swap3A_154 = arith.constant 480 : index
    %swap3A_155 = tpu.vector_load %arg10[%swap3A_154] {strides = array<i32>} : memref<608xf32, #tpu.memory_space<vmem>>, vector<16xf32>,
    tpu.vector_store %arg10[%swap3A_154], %get3A_153 {strides = array<i32>} : memref<608xf32, #tpu.memory_space<vmem>>, vector<16xf32>,
    %get3A_156 = arith.constant 0 : i32
    %get3A_157 = arith.index_cast %get3A_156 : i32 to index
    %get3A_158 = arith.constant 192 : index
    %get3A_159 = tpu.vector_load %arg9[%get3A_157, %get3A_158] {strides = array<i32>} : memref<16x300xf32, #tpu.memory_space<vmem>>, vector<16xf32>,
    %swap3A_160 = arith.constant 192 : index
    %swap3A_161 = tpu.vector_load %arg10[%swap3A_160] {strides = array<i32>} : memref<608xf32, #tpu.memory_space<vmem>>, vector<16xf32>,
    tpu.vector_store %arg10[%swap3A_160], %get3A_159 {strides = array<i32>} : memref<608xf32, #tpu.memory_space<vmem>>, vector<16xf32>,
    %get3A_162 = arith.constant 1 : i32
    %get3A_163 = arith.index_cast %get3A_162 : i32 to index
    %get3A_164 = arith.constant 192 : index
    %get3A_165 = tpu.vector_load %arg9[%get3A_163, %get3A_164] {strides = array<i32>} : memref<16x300xf32, #tpu.memory_space<vmem>>, vector<16xf32>,
    %swap3A_166 = arith.constant 496 : index
    %swap3A_167 = tpu.vector_load %arg10[%swap3A_166] {strides = array<i32>} : memref<608xf32, #tpu.memory_space<vmem>>, vector<16xf32>,
    tpu.vector_store %arg10[%swap3A_166], %get3A_165 {strides = array<i32>} : memref<608xf32, #tpu.memory_space<vmem>>, vector<16xf32>,
    %get3A_168 = arith.constant 0 : i32
    %get3A_169 = arith.index_cast %get3A_168 : i32 to index
    %get3A_170 = arith.constant 208 : index
    %get3A_171 = tpu.vector_load %arg9[%get3A_169, %get3A_170] {strides = array<i32>} : memref<16x300xf32, #tpu.memory_space<vmem>>, vector<16xf32>,
    %swap3A_172 = arith.constant 208 : index
    %swap3A_173 = tpu.vector_load %arg10[%swap3A_172] {strides = array<i32>} : memref<608xf32, #tpu.memory_space<vmem>>, vector<16xf32>,
    tpu.vector_store %arg10[%swap3A_172], %get3A_171 {strides = array<i32>} : memref<608xf32, #tpu.memory_space<vmem>>, vector<16xf32>,
    %get3A_174 = arith.constant 1 : i32
    %get3A_175 = arith.index_cast %get3A_174 : i32 to index
    %get3A_176 = arith.constant 208 : index
    %get3A_177 = tpu.vector_load %arg9[%get3A_175, %get3A_176] {strides = array<i32>} : memref<16x300xf32, #tpu.memory_space<vmem>>, vector<16xf32>,
    %swap3A_178 = arith.constant 512 : index
    %swap3A_179 = tpu.vector_load %arg10[%swap3A_178] {strides = array<i32>} : memref<608xf32, #tpu.memory_space<vmem>>, vector<16xf32>,
    tpu.vector_store %arg10[%swap3A_178], %get3A_177 {strides = array<i32>} : memref<608xf32, #tpu.memory_space<vmem>>, vector<16xf32>,
    %get3A_180 = arith.constant 0 : i32
    %get3A_181 = arith.index_cast %get3A_180 : i32 to index
    %get3A_182 = arith.constant 224 : index
    %get3A_183 = tpu.vector_load %arg9[%get3A_181, %get3A_182] {strides = array<i32>} : memref<16x300xf32, #tpu.memory_space<vmem>>, vector<16xf32>,
    %swap3A_184 = arith.constant 224 : index
    %swap3A_185 = tpu.vector_load %arg10[%swap3A_184] {strides = array<i32>} : memref<608xf32, #tpu.memory_space<vmem>>, vector<16xf32>,
    tpu.vector_store %arg10[%swap3A_184], %get3A_183 {strides = array<i32>} : memref<608xf32, #tpu.memory_space<vmem>>, vector<16xf32>,
    %get3A_186 = arith.constant 1 : i32
    %get3A_187 = arith.index_cast %get3A_186 : i32 to index
    %get3A_188 = arith.constant 224 : index
    %get3A_189 = tpu.vector_load %arg9[%get3A_187, %get3A_188] {strides = array<i32>} : memref<16x300xf32, #tpu.memory_space<vmem>>, vector<16xf32>,
    %swap3A_190 = arith.constant 528 : index
    %swap3A_191 = tpu.vector_load %arg10[%swap3A_190] {strides = array<i32>} : memref<608xf32, #tpu.memory_space<vmem>>, vector<16xf32>,
    tpu.vector_store %arg10[%swap3A_190], %get3A_189 {strides = array<i32>} : memref<608xf32, #tpu.memory_space<vmem>>, vector<16xf32>,
    %get3A_192 = arith.constant 0 : i32
    %get3A_193 = arith.index_cast %get3A_192 : i32 to index
    %get3A_194 = arith.constant 240 : index
    %get3A_195 = tpu.vector_load %arg9[%get3A_193, %get3A_194] {strides = array<i32>} : memref<16x300xf32, #tpu.memory_space<vmem>>, vector<16xf32>,
    %swap3A_196 = arith.constant 240 : index
    %swap3A_197 = tpu.vector_load %arg10[%swap3A_196] {strides = array<i32>} : memref<608xf32, #tpu.memory_space<vmem>>, vector<16xf32>,
    tpu.vector_store %arg10[%swap3A_196], %get3A_195 {strides = array<i32>} : memref<608xf32, #tpu.memory_space<vmem>>, vector<16xf32>,
    %get3A_198 = arith.constant 1 : i32
    %get3A_199 = arith.index_cast %get3A_198 : i32 to index
    %get3A_200 = arith.constant 240 : index
    %get3A_201 = tpu.vector_load %arg9[%get3A_199, %get3A_200] {strides = array<i32>} : memref<16x300xf32, #tpu.memory_space<vmem>>, vector<16xf32>,
    %swap3A_202 = arith.constant 544 : index
    %swap3A_203 = tpu.vector_load %arg10[%swap3A_202] {strides = array<i32>} : memref<608xf32, #tpu.memory_space<vmem>>, vector<16xf32>,
    tpu.vector_store %arg10[%swap3A_202], %get3A_201 {strides = array<i32>} : memref<608xf32, #tpu.memory_space<vmem>>, vector<16xf32>,
    %get3A_204 = arith.constant 0 : i32
    %get3A_205 = arith.index_cast %get3A_204 : i32 to index
    %get3A_206 = arith.constant 256 : index
    %get3A_207 = tpu.vector_load %arg9[%get3A_205, %get3A_206] {strides = array<i32>} : memref<16x300xf32, #tpu.memory_space<vmem>>, vector<16xf32>,
    %swap3A_208 = arith.constant 256 : index
    %swap3A_209 = tpu.vector_load %arg10[%swap3A_208] {strides = array<i32>} : memref<608xf32, #tpu.memory_space<vmem>>, vector<16xf32>,
    tpu.vector_store %arg10[%swap3A_208], %get3A_207 {strides = array<i32>} : memref<608xf32, #tpu.memory_space<vmem>>, vector<16xf32>,
    %get3A_210 = arith.constant 1 : i32
    %get3A_211 = arith.index_cast %get3A_210 : i32 to index
    %get3A_212 = arith.constant 256 : index
    %get3A_213 = tpu.vector_load %arg9[%get3A_211, %get3A_212] {strides = array<i32>} : memref<16x300xf32, #tpu.memory_space<vmem>>, vector<16xf32>,
    %swap3A_214 = arith.constant 560 : index
    %swap3A_215 = tpu.vector_load %arg10[%swap3A_214] {strides = array<i32>} : memref<608xf32, #tpu.memory_space<vmem>>, vector<16xf32>,
    tpu.vector_store %arg10[%swap3A_214], %get3A_213 {strides = array<i32>} : memref<608xf32, #tpu.memory_space<vmem>>, vector<16xf32>,
    %get3A_216 = arith.constant 0 : i32
    %get3A_217 = arith.index_cast %get3A_216 : i32 to index
    %get3A_218 = arith.constant 272 : index
    %get3A_219 = tpu.vector_load %arg9[%get3A_217, %get3A_218] {strides = array<i32>} : memref<16x300xf32, #tpu.memory_space<vmem>>, vector<16xf32>,
    %swap3A_220 = arith.constant 272 : index
    %swap3A_221 = tpu.vector_load %arg10[%swap3A_220] {strides = array<i32>} : memref<608xf32, #tpu.memory_space<vmem>>, vector<16xf32>,
    tpu.vector_store %arg10[%swap3A_220], %get3A_219 {strides = array<i32>} : memref<608xf32, #tpu.memory_space<vmem>>, vector<16xf32>,
    %get3A_222 = arith.constant 1 : i32
    %get3A_223 = arith.index_cast %get3A_222 : i32 to index
    %get3A_224 = arith.constant 272 : index
    %get3A_225 = tpu.vector_load %arg9[%get3A_223, %get3A_224] {strides = array<i32>} : memref<16x300xf32, #tpu.memory_space<vmem>>, vector<16xf32>,
    %swap3A_226 = arith.constant 576 : index
    %swap3A_227 = tpu.vector_load %arg10[%swap3A_226] {strides = array<i32>} : memref<608xf32, #tpu.memory_space<vmem>>, vector<16xf32>,
    tpu.vector_store %arg10[%swap3A_226], %get3A_225 {strides = array<i32>} : memref<608xf32, #tpu.memory_space<vmem>>, vector<16xf32>,
    %get3A_228 = arith.constant 0 : i32
    %get3A_229 = arith.index_cast %get3A_228 : i32 to index
    %get3A_230 = arith.constant 284 : index
    %get3A_231 = tpu.vector_load %arg9[%get3A_229, %get3A_230] {strides = array<i32>} : memref<16x300xf32, #tpu.memory_space<vmem>>, vector<16xf32>,
    %swap3A_232 = arith.constant 284 : index
    %swap3A_233 = tpu.vector_load %arg10[%swap3A_232] {strides = array<i32>} : memref<608xf32, #tpu.memory_space<vmem>>, vector<16xf32>,
    tpu.vector_store %arg10[%swap3A_232], %get3A_231 {strides = array<i32>} : memref<608xf32, #tpu.memory_space<vmem>>, vector<16xf32>,
    %get3A_234 = arith.constant 1 : i32
    %get3A_235 = arith.index_cast %get3A_234 : i32 to index
    %get3A_236 = arith.constant 284 : index
    %get3A_237 = tpu.vector_load %arg9[%get3A_235, %get3A_236] {strides = array<i32>} : memref<16x300xf32, #tpu.memory_space<vmem>>, vector<16xf32>,
    %swap3A_238 = arith.constant 588 : index
    %swap3A_239 = tpu.vector_load %arg10[%swap3A_238] {strides = array<i32>} : memref<608xf32, #tpu.memory_space<vmem>>, vector<16xf32>,
    tpu.vector_store %arg10[%swap3A_238], %get3A_237 {strides = array<i32>} : memref<608xf32, #tpu.memory_space<vmem>>, vector<16xf32>,
    %dma_wait3A = tpu.memref_slice %arg3[%mul3A_2] : memref<131072xi32, #tpu.memory_space<hbm>> -> memref<4096xi32, #tpu.memory_space<hbm>>
    %dma_wait3A_240 = tpu.memref_slice %arg3[%mul3A_2] : memref<131072xi32, #tpu.memory_space<hbm>> -> memref<4096xi32, #tpu.memory_space<hbm>>
    tpu.wait_dma2 semaphore(%arg15 : memref<!tpu.dma_semaphore, #tpu.memory_space<semaphore_mem>>) src(%dma_wait3A_240 : memref<4096xi32, #tpu.memory_space<hbm>>) dst(%arg8 : memref<4096xi32, #tpu.memory_space<vmem>>)
    %dma_wait3A_241 = arith.constant 0 : i32
    %dma_wait3A_242 = tpu.memref_slice %arg2[%dma_wait3A_241, %mul3A_2] : memref<16x131072xf32, #tpu.memory_space<hbm>> -> memref<16x2048xf32, #tpu.memory_space<hbm>>
    %dma_wait3A_243 = arith.constant 0 : i32
    %dma_wait3A_244 = tpu.memref_slice %arg2[%dma_wait3A_243, %mul3A_2] : memref<16x131072xf32, #tpu.memory_space<hbm>> -> memref<16x2048xf32, #tpu.memory_space<hbm>>
    tpu.wait_dma2 semaphore(%arg11 : memref<!tpu.dma_semaphore, #tpu.memory_space<semaphore_mem>>) src(%dma_wait3A_244 : memref<16x2048xf32, #tpu.memory_space<hbm>>) dst(%arg6 : memref<16x2048xf32, #tpu.memory_space<vmem>>)
    %parallel_loop3A = arith.constant 0 : i32
    %parallel_loop3A_245 = arith.constant 128 : i32
    %parallel_loop3A_246 = arith.constant 1 : i32
    scf.for %parallel_loop3A_272 = %parallel_loop3A to %parallel_loop3A_245 step %parallel_loop3A_246  : i32 {
      %parallel_loop3A_273 = arith.constant 16 : i32
      %parallel_loop3A_274 = arith.muli %parallel_loop3A_272, %parallel_loop3A_273 : i32
      %parallel_loop3A_275 = arith.constant 0 : i32
      %parallel_loop3A_276 = arith.addi %parallel_loop3A_275, %parallel_loop3A_274 : i32
      %parallel_loop3A_277 = arith.index_cast %parallel_loop3A_276 : i32 to index
      %parallel_loop3A_278 = tpu.vector_load %arg8[%parallel_loop3A_277] {strides = array<i32>} : memref<4096xi32, #tpu.memory_space<vmem>>, vector<16xi32>,
      %parallel_loop3A_279 = tpu.vector_load_idx %arg10[%parallel_loop3A_278] : memref<608xf32, #tpu.memory_space<vmem>>[vector<16xi32>], vector<16xf32>,
      %parallel_loop3A_280 = arith.constant 304 : i32
      %parallel_loop3A_281 = vector.broadcast %parallel_loop3A_280 : i32 to vector<16xi32>
      %parallel_loop3A_282 = arith.addi %parallel_loop3A_278, %parallel_loop3A_281 : vector<16xi32>
      %parallel_loop3A_283 = tpu.vector_load_idx %arg10[%parallel_loop3A_282] : memref<608xf32, #tpu.memory_space<vmem>>[vector<16xi32>], vector<16xf32>,
      %parallel_loop3A_284 = arith.subf %parallel_loop3A_279, %parallel_loop3A_283 : vector<16xf32>
      %parallel_loop3A_285 = arith.constant 16 : i32
      %parallel_loop3A_286 = arith.muli %parallel_loop3A_272, %parallel_loop3A_285 : i32
      %parallel_loop3A_287 = arith.constant 0 : i32
      %parallel_loop3A_288 = arith.index_cast %parallel_loop3A_287 : i32 to index
      %parallel_loop3A_289 = arith.index_cast %parallel_loop3A_286 : i32 to index
      %parallel_loop3A_290 = tpu.vector_load %arg6[%parallel_loop3A_288, %parallel_loop3A_289] {strides = array<i32>} : memref<16x2048xf32, #tpu.memory_space<vmem>>, vector<16xf32>,
      %parallel_loop3A_291 = arith.constant 16 : i32
      %parallel_loop3A_292 = arith.muli %parallel_loop3A_272, %parallel_loop3A_291 : i32
      %parallel_loop3A_293 = arith.constant 1 : i32
      %parallel_loop3A_294 = arith.index_cast %parallel_loop3A_293 : i32 to index
      %parallel_loop3A_295 = arith.index_cast %parallel_loop3A_292 : i32 to index
      %parallel_loop3A_296 = tpu.vector_load %arg6[%parallel_loop3A_294, %parallel_loop3A_295] {strides = array<i32>} : memref<16x2048xf32, #tpu.memory_space<vmem>>, vector<16xf32>,
      %parallel_loop3A_297 = arith.constant 16 : i32
      %parallel_loop3A_298 = arith.muli %parallel_loop3A_272, %parallel_loop3A_297 : i32
      %parallel_loop3A_299 = arith.constant 2 : i32
      %parallel_loop3A_300 = arith.index_cast %parallel_loop3A_299 : i32 to index
      %parallel_loop3A_301 = arith.index_cast %parallel_loop3A_298 : i32 to index
      %parallel_loop3A_302 = tpu.vector_load %arg6[%parallel_loop3A_300, %parallel_loop3A_301] {strides = array<i32>} : memref<16x2048xf32, #tpu.memory_space<vmem>>, vector<16xf32>,
      %parallel_loop3A_303 = arith.constant 16 : i32
      %parallel_loop3A_304 = arith.muli %parallel_loop3A_272, %parallel_loop3A_303 : i32
      %parallel_loop3A_305 = arith.constant 3 : i32
      %parallel_loop3A_306 = arith.index_cast %parallel_loop3A_305 : i32 to index
      %parallel_loop3A_307 = arith.index_cast %parallel_loop3A_304 : i32 to index
      %parallel_loop3A_308 = tpu.vector_load %arg6[%parallel_loop3A_306, %parallel_loop3A_307] {strides = array<i32>} : memref<16x2048xf32, #tpu.memory_space<vmem>>, vector<16xf32>,
      %parallel_loop3A_309 = arith.constant 16 : i32
      %parallel_loop3A_310 = arith.muli %parallel_loop3A_272, %parallel_loop3A_309 : i32
      %parallel_loop3A_311 = arith.constant 4 : i32
      %parallel_loop3A_312 = arith.index_cast %parallel_loop3A_311 : i32 to index
      %parallel_loop3A_313 = arith.index_cast %parallel_loop3A_310 : i32 to index
      %parallel_loop3A_314 = tpu.vector_load %arg6[%parallel_loop3A_312, %parallel_loop3A_313] {strides = array<i32>} : memref<16x2048xf32, #tpu.memory_space<vmem>>, vector<16xf32>,
      %parallel_loop3A_315 = arith.constant 16 : i32
      %parallel_loop3A_316 = arith.muli %parallel_loop3A_272, %parallel_loop3A_315 : i32
      %parallel_loop3A_317 = arith.constant 5 : i32
      %parallel_loop3A_318 = arith.index_cast %parallel_loop3A_317 : i32 to index
      %parallel_loop3A_319 = arith.index_cast %parallel_loop3A_316 : i32 to index
      %parallel_loop3A_320 = tpu.vector_load %arg6[%parallel_loop3A_318, %parallel_loop3A_319] {strides = array<i32>} : memref<16x2048xf32, #tpu.memory_space<vmem>>, vector<16xf32>,
      %parallel_loop3A_321 = arith.constant 16 : i32
      %parallel_loop3A_322 = arith.muli %parallel_loop3A_272, %parallel_loop3A_321 : i32
      %parallel_loop3A_323 = arith.constant 6 : i32
      %parallel_loop3A_324 = arith.index_cast %parallel_loop3A_323 : i32 to index
      %parallel_loop3A_325 = arith.index_cast %parallel_loop3A_322 : i32 to index
      %parallel_loop3A_326 = tpu.vector_load %arg6[%parallel_loop3A_324, %parallel_loop3A_325] {strides = array<i32>} : memref<16x2048xf32, #tpu.memory_space<vmem>>, vector<16xf32>,
      %parallel_loop3A_327 = arith.constant 16 : i32
      %parallel_loop3A_328 = arith.muli %parallel_loop3A_272, %parallel_loop3A_327 : i32
      %parallel_loop3A_329 = arith.constant 7 : i32
      %parallel_loop3A_330 = arith.index_cast %parallel_loop3A_329 : i32 to index
      %parallel_loop3A_331 = arith.index_cast %parallel_loop3A_328 : i32 to index
      %parallel_loop3A_332 = tpu.vector_load %arg6[%parallel_loop3A_330, %parallel_loop3A_331] {strides = array<i32>} : memref<16x2048xf32, #tpu.memory_space<vmem>>, vector<16xf32>,
      %parallel_loop3A_333 = arith.constant 16 : i32
      %parallel_loop3A_334 = arith.muli %parallel_loop3A_272, %parallel_loop3A_333 : i32
      %parallel_loop3A_335 = arith.constant 8 : i32
      %parallel_loop3A_336 = arith.index_cast %parallel_loop3A_335 : i32 to index
      %parallel_loop3A_337 = arith.index_cast %parallel_loop3A_334 : i32 to index
      %parallel_loop3A_338 = tpu.vector_load %arg6[%parallel_loop3A_336, %parallel_loop3A_337] {strides = array<i32>} : memref<16x2048xf32, #tpu.memory_space<vmem>>, vector<16xf32>,
      %parallel_loop3A_339 = arith.constant 16 : i32
      %parallel_loop3A_340 = arith.muli %parallel_loop3A_272, %parallel_loop3A_339 : i32
      %parallel_loop3A_341 = arith.constant 9 : i32
      %parallel_loop3A_342 = arith.index_cast %parallel_loop3A_341 : i32 to index
      %parallel_loop3A_343 = arith.index_cast %parallel_loop3A_340 : i32 to index
      %parallel_loop3A_344 = tpu.vector_load %arg6[%parallel_loop3A_342, %parallel_loop3A_343] {strides = array<i32>} : memref<16x2048xf32, #tpu.memory_space<vmem>>, vector<16xf32>,
      %parallel_loop3A_345 = arith.constant 16 : i32
      %parallel_loop3A_346 = arith.muli %parallel_loop3A_272, %parallel_loop3A_345 : i32
      %parallel_loop3A_347 = arith.constant 10 : i32
      %parallel_loop3A_348 = arith.index_cast %parallel_loop3A_347 : i32 to index
      %parallel_loop3A_349 = arith.index_cast %parallel_loop3A_346 : i32 to index
      %parallel_loop3A_350 = tpu.vector_load %arg6[%parallel_loop3A_348, %parallel_loop3A_349] {strides = array<i32>} : memref<16x2048xf32, #tpu.memory_space<vmem>>, vector<16xf32>,
      %parallel_loop3A_351 = arith.constant 16 : i32
      %parallel_loop3A_352 = arith.muli %parallel_loop3A_272, %parallel_loop3A_351 : i32
      %parallel_loop3A_353 = arith.constant 11 : i32
      %parallel_loop3A_354 = arith.index_cast %parallel_loop3A_353 : i32 to index
      %parallel_loop3A_355 = arith.index_cast %parallel_loop3A_352 : i32 to index
      %parallel_loop3A_356 = tpu.vector_load %arg6[%parallel_loop3A_354, %parallel_loop3A_355] {strides = array<i32>} : memref<16x2048xf32, #tpu.memory_space<vmem>>, vector<16xf32>,
      %parallel_loop3A_357 = arith.constant 16 : i32
      %parallel_loop3A_358 = arith.muli %parallel_loop3A_272, %parallel_loop3A_357 : i32
      %parallel_loop3A_359 = arith.constant 12 : i32
      %parallel_loop3A_360 = arith.index_cast %parallel_loop3A_359 : i32 to index
      %parallel_loop3A_361 = arith.index_cast %parallel_loop3A_358 : i32 to index
      %parallel_loop3A_362 = tpu.vector_load %arg6[%parallel_loop3A_360, %parallel_loop3A_361] {strides = array<i32>} : memref<16x2048xf32, #tpu.memory_space<vmem>>, vector<16xf32>,
      %parallel_loop3A_363 = arith.constant 16 : i32
      %parallel_loop3A_364 = arith.muli %parallel_loop3A_272, %parallel_loop3A_363 : i32
      %parallel_loop3A_365 = arith.constant 13 : i32
      %parallel_loop3A_366 = arith.index_cast %parallel_loop3A_365 : i32 to index
      %parallel_loop3A_367 = arith.index_cast %parallel_loop3A_364 : i32 to index
      %parallel_loop3A_368 = tpu.vector_load %arg6[%parallel_loop3A_366, %parallel_loop3A_367] {strides = array<i32>} : memref<16x2048xf32, #tpu.memory_space<vmem>>, vector<16xf32>,
      %parallel_loop3A_369 = arith.constant 16 : i32
      %parallel_loop3A_370 = arith.muli %parallel_loop3A_272, %parallel_loop3A_369 : i32
      %parallel_loop3A_371 = arith.constant 14 : i32
      %parallel_loop3A_372 = arith.index_cast %parallel_loop3A_371 : i32 to index
      %parallel_loop3A_373 = arith.index_cast %parallel_loop3A_370 : i32 to index
      %parallel_loop3A_374 = tpu.vector_load %arg6[%parallel_loop3A_372, %parallel_loop3A_373] {strides = array<i32>} : memref<16x2048xf32, #tpu.memory_space<vmem>>, vector<16xf32>,
      %parallel_loop3A_375 = arith.constant 16 : i32
      %parallel_loop3A_376 = arith.muli %parallel_loop3A_272, %parallel_loop3A_375 : i32
      %parallel_loop3A_377 = arith.constant 15 : i32
      %parallel_loop3A_378 = arith.index_cast %parallel_loop3A_377 : i32 to index
      %parallel_loop3A_379 = arith.index_cast %parallel_loop3A_376 : i32 to index
      %parallel_loop3A_380 = tpu.vector_load %arg6[%parallel_loop3A_378, %parallel_loop3A_379] {strides = array<i32>} : memref<16x2048xf32, #tpu.memory_space<vmem>>, vector<16xf32>,
      %parallel_loop3A_381 = arith.addf %parallel_loop3A_290, %parallel_loop3A_296 : vector<16xf32>
      %parallel_loop3A_382 = arith.addf %parallel_loop3A_302, %parallel_loop3A_308 : vector<16xf32>
      %parallel_loop3A_383 = arith.addf %parallel_loop3A_314, %parallel_loop3A_320 : vector<16xf32>
      %parallel_loop3A_384 = arith.addf %parallel_loop3A_326, %parallel_loop3A_332 : vector<16xf32>
      %parallel_loop3A_385 = arith.addf %parallel_loop3A_338, %parallel_loop3A_344 : vector<16xf32>
      %parallel_loop3A_386 = arith.addf %parallel_loop3A_350, %parallel_loop3A_356 : vector<16xf32>
      %parallel_loop3A_387 = arith.addf %parallel_loop3A_362, %parallel_loop3A_368 : vector<16xf32>
      %parallel_loop3A_388 = arith.addf %parallel_loop3A_374, %parallel_loop3A_380 : vector<16xf32>
      %parallel_loop3A_389 = arith.addf %parallel_loop3A_381, %parallel_loop3A_382 : vector<16xf32>
      %parallel_loop3A_390 = arith.addf %parallel_loop3A_383, %parallel_loop3A_384 : vector<16xf32>
      %parallel_loop3A_391 = arith.addf %parallel_loop3A_385, %parallel_loop3A_386 : vector<16xf32>
      %parallel_loop3A_392 = arith.addf %parallel_loop3A_387, %parallel_loop3A_388 : vector<16xf32>
      %parallel_loop3A_393 = arith.addf %parallel_loop3A_389, %parallel_loop3A_390 : vector<16xf32>
      %parallel_loop3A_394 = arith.addf %parallel_loop3A_391, %parallel_loop3A_392 : vector<16xf32>
      %parallel_loop3A_395 = arith.addf %parallel_loop3A_393, %parallel_loop3A_394 : vector<16xf32>
      %parallel_loop3A_396 = arith.mulf %parallel_loop3A_283, %parallel_loop3A_395 : vector<16xf32>
      %parallel_loop3A_397 = arith.mulf %parallel_loop3A_284, %parallel_loop3A_290 : vector<16xf32>
      %parallel_loop3A_398 = arith.addf %parallel_loop3A_397, %parallel_loop3A_396 : vector<16xf32>
      %parallel_loop3A_399 = arith.constant 16 : i32
      %parallel_loop3A_400 = arith.muli %parallel_loop3A_272, %parallel_loop3A_399 : i32
      %parallel_loop3A_401 = arith.constant 0 : i32
      %parallel_loop3A_402 = arith.index_cast %parallel_loop3A_401 : i32 to index
      %parallel_loop3A_403 = arith.index_cast %parallel_loop3A_400 : i32 to index
      %parallel_loop3A_404 = tpu.vector_load %arg6[%parallel_loop3A_402, %parallel_loop3A_403] {strides = array<i32>} : memref<16x2048xf32, #tpu.memory_space<vmem>>, vector<16xf32>,
      tpu.vector_store %arg6[%parallel_loop3A_402, %parallel_loop3A_403], %parallel_loop3A_398 {strides = array<i32>} : memref<16x2048xf32, #tpu.memory_space<vmem>>, vector<16xf32>,
      %parallel_loop3A_405 = arith.mulf %parallel_loop3A_284, %parallel_loop3A_296 : vector<16xf32>
      %parallel_loop3A_406 = arith.addf %parallel_loop3A_405, %parallel_loop3A_396 : vector<16xf32>
      %parallel_loop3A_407 = arith.constant 16 : i32
      %parallel_loop3A_408 = arith.muli %parallel_loop3A_272, %parallel_loop3A_407 : i32
      %parallel_loop3A_409 = arith.constant 1 : i32
      %parallel_loop3A_410 = arith.index_cast %parallel_loop3A_409 : i32 to index
      %parallel_loop3A_411 = arith.index_cast %parallel_loop3A_408 : i32 to index
      %parallel_loop3A_412 = tpu.vector_load %arg6[%parallel_loop3A_410, %parallel_loop3A_411] {strides = array<i32>} : memref<16x2048xf32, #tpu.memory_space<vmem>>, vector<16xf32>,
      tpu.vector_store %arg6[%parallel_loop3A_410, %parallel_loop3A_411], %parallel_loop3A_406 {strides = array<i32>} : memref<16x2048xf32, #tpu.memory_space<vmem>>, vector<16xf32>,
      %parallel_loop3A_413 = arith.mulf %parallel_loop3A_284, %parallel_loop3A_302 : vector<16xf32>
      %parallel_loop3A_414 = arith.addf %parallel_loop3A_413, %parallel_loop3A_396 : vector<16xf32>
      %parallel_loop3A_415 = arith.constant 16 : i32
      %parallel_loop3A_416 = arith.muli %parallel_loop3A_272, %parallel_loop3A_415 : i32
      %parallel_loop3A_417 = arith.constant 2 : i32
      %parallel_loop3A_418 = arith.index_cast %parallel_loop3A_417 : i32 to index
      %parallel_loop3A_419 = arith.index_cast %parallel_loop3A_416 : i32 to index
      %parallel_loop3A_420 = tpu.vector_load %arg6[%parallel_loop3A_418, %parallel_loop3A_419] {strides = array<i32>} : memref<16x2048xf32, #tpu.memory_space<vmem>>, vector<16xf32>,
      tpu.vector_store %arg6[%parallel_loop3A_418, %parallel_loop3A_419], %parallel_loop3A_414 {strides = array<i32>} : memref<16x2048xf32, #tpu.memory_space<vmem>>, vector<16xf32>,
      %parallel_loop3A_421 = arith.mulf %parallel_loop3A_284, %parallel_loop3A_308 : vector<16xf32>
      %parallel_loop3A_422 = arith.addf %parallel_loop3A_421, %parallel_loop3A_396 : vector<16xf32>
      %parallel_loop3A_423 = arith.constant 16 : i32
      %parallel_loop3A_424 = arith.muli %parallel_loop3A_272, %parallel_loop3A_423 : i32
      %parallel_loop3A_425 = arith.constant 3 : i32
      %parallel_loop3A_426 = arith.index_cast %parallel_loop3A_425 : i32 to index
      %parallel_loop3A_427 = arith.index_cast %parallel_loop3A_424 : i32 to index
      %parallel_loop3A_428 = tpu.vector_load %arg6[%parallel_loop3A_426, %parallel_loop3A_427] {strides = array<i32>} : memref<16x2048xf32, #tpu.memory_space<vmem>>, vector<16xf32>,
      tpu.vector_store %arg6[%parallel_loop3A_426, %parallel_loop3A_427], %parallel_loop3A_422 {strides = array<i32>} : memref<16x2048xf32, #tpu.memory_space<vmem>>, vector<16xf32>,
      %parallel_loop3A_429 = arith.mulf %parallel_loop3A_284, %parallel_loop3A_314 : vector<16xf32>
      %parallel_loop3A_430 = arith.addf %parallel_loop3A_429, %parallel_loop3A_396 : vector<16xf32>
      %parallel_loop3A_431 = arith.constant 16 : i32
      %parallel_loop3A_432 = arith.muli %parallel_loop3A_272, %parallel_loop3A_431 : i32
      %parallel_loop3A_433 = arith.constant 4 : i32
      %parallel_loop3A_434 = arith.index_cast %parallel_loop3A_433 : i32 to index
      %parallel_loop3A_435 = arith.index_cast %parallel_loop3A_432 : i32 to index
      %parallel_loop3A_436 = tpu.vector_load %arg6[%parallel_loop3A_434, %parallel_loop3A_435] {strides = array<i32>} : memref<16x2048xf32, #tpu.memory_space<vmem>>, vector<16xf32>,
      tpu.vector_store %arg6[%parallel_loop3A_434, %parallel_loop3A_435], %parallel_loop3A_430 {strides = array<i32>} : memref<16x2048xf32, #tpu.memory_space<vmem>>, vector<16xf32>,
      %parallel_loop3A_437 = arith.mulf %parallel_loop3A_284, %parallel_loop3A_320 : vector<16xf32>
      %parallel_loop3A_438 = arith.addf %parallel_loop3A_437, %parallel_loop3A_396 : vector<16xf32>
      %parallel_loop3A_439 = arith.constant 16 : i32
      %parallel_loop3A_440 = arith.muli %parallel_loop3A_272, %parallel_loop3A_439 : i32
      %parallel_loop3A_441 = arith.constant 5 : i32
      %parallel_loop3A_442 = arith.index_cast %parallel_loop3A_441 : i32 to index
      %parallel_loop3A_443 = arith.index_cast %parallel_loop3A_440 : i32 to index
      %parallel_loop3A_444 = tpu.vector_load %arg6[%parallel_loop3A_442, %parallel_loop3A_443] {strides = array<i32>} : memref<16x2048xf32, #tpu.memory_space<vmem>>, vector<16xf32>,
      tpu.vector_store %arg6[%parallel_loop3A_442, %parallel_loop3A_443], %parallel_loop3A_438 {strides = array<i32>} : memref<16x2048xf32, #tpu.memory_space<vmem>>, vector<16xf32>,
      %parallel_loop3A_445 = arith.mulf %parallel_loop3A_284, %parallel_loop3A_326 : vector<16xf32>
      %parallel_loop3A_446 = arith.addf %parallel_loop3A_445, %parallel_loop3A_396 : vector<16xf32>
      %parallel_loop3A_447 = arith.constant 16 : i32
      %parallel_loop3A_448 = arith.muli %parallel_loop3A_272, %parallel_loop3A_447 : i32
      %parallel_loop3A_449 = arith.constant 6 : i32
      %parallel_loop3A_450 = arith.index_cast %parallel_loop3A_449 : i32 to index
      %parallel_loop3A_451 = arith.index_cast %parallel_loop3A_448 : i32 to index
      %parallel_loop3A_452 = tpu.vector_load %arg6[%parallel_loop3A_450, %parallel_loop3A_451] {strides = array<i32>} : memref<16x2048xf32, #tpu.memory_space<vmem>>, vector<16xf32>,
      tpu.vector_store %arg6[%parallel_loop3A_450, %parallel_loop3A_451], %parallel_loop3A_446 {strides = array<i32>} : memref<16x2048xf32, #tpu.memory_space<vmem>>, vector<16xf32>,
      %parallel_loop3A_453 = arith.mulf %parallel_loop3A_284, %parallel_loop3A_332 : vector<16xf32>
      %parallel_loop3A_454 = arith.addf %parallel_loop3A_453, %parallel_loop3A_396 : vector<16xf32>
      %parallel_loop3A_455 = arith.constant 16 : i32
      %parallel_loop3A_456 = arith.muli %parallel_loop3A_272, %parallel_loop3A_455 : i32
      %parallel_loop3A_457 = arith.constant 7 : i32
      %parallel_loop3A_458 = arith.index_cast %parallel_loop3A_457 : i32 to index
      %parallel_loop3A_459 = arith.index_cast %parallel_loop3A_456 : i32 to index
      %parallel_loop3A_460 = tpu.vector_load %arg6[%parallel_loop3A_458, %parallel_loop3A_459] {strides = array<i32>} : memref<16x2048xf32, #tpu.memory_space<vmem>>, vector<16xf32>,
      tpu.vector_store %arg6[%parallel_loop3A_458, %parallel_loop3A_459], %parallel_loop3A_454 {strides = array<i32>} : memref<16x2048xf32, #tpu.memory_space<vmem>>, vector<16xf32>,
      %parallel_loop3A_461 = arith.mulf %parallel_loop3A_284, %parallel_loop3A_338 : vector<16xf32>
      %parallel_loop3A_462 = arith.addf %parallel_loop3A_461, %parallel_loop3A_396 : vector<16xf32>
      %parallel_loop3A_463 = arith.constant 16 : i32
      %parallel_loop3A_464 = arith.muli %parallel_loop3A_272, %parallel_loop3A_463 : i32
      %parallel_loop3A_465 = arith.constant 8 : i32
      %parallel_loop3A_466 = arith.index_cast %parallel_loop3A_465 : i32 to index
      %parallel_loop3A_467 = arith.index_cast %parallel_loop3A_464 : i32 to index
      %parallel_loop3A_468 = tpu.vector_load %arg6[%parallel_loop3A_466, %parallel_loop3A_467] {strides = array<i32>} : memref<16x2048xf32, #tpu.memory_space<vmem>>, vector<16xf32>,
      tpu.vector_store %arg6[%parallel_loop3A_466, %parallel_loop3A_467], %parallel_loop3A_462 {strides = array<i32>} : memref<16x2048xf32, #tpu.memory_space<vmem>>, vector<16xf32>,
      %parallel_loop3A_469 = arith.mulf %parallel_loop3A_284, %parallel_loop3A_344 : vector<16xf32>
      %parallel_loop3A_470 = arith.addf %parallel_loop3A_469, %parallel_loop3A_396 : vector<16xf32>
      %parallel_loop3A_471 = arith.constant 16 : i32
      %parallel_loop3A_472 = arith.muli %parallel_loop3A_272, %parallel_loop3A_471 : i32
      %parallel_loop3A_473 = arith.constant 9 : i32
      %parallel_loop3A_474 = arith.index_cast %parallel_loop3A_473 : i32 to index
      %parallel_loop3A_475 = arith.index_cast %parallel_loop3A_472 : i32 to index
      %parallel_loop3A_476 = tpu.vector_load %arg6[%parallel_loop3A_474, %parallel_loop3A_475] {strides = array<i32>} : memref<16x2048xf32, #tpu.memory_space<vmem>>, vector<16xf32>,
      tpu.vector_store %arg6[%parallel_loop3A_474, %parallel_loop3A_475], %parallel_loop3A_470 {strides = array<i32>} : memref<16x2048xf32, #tpu.memory_space<vmem>>, vector<16xf32>,
      %parallel_loop3A_477 = arith.mulf %parallel_loop3A_284, %parallel_loop3A_350 : vector<16xf32>
      %parallel_loop3A_478 = arith.addf %parallel_loop3A_477, %parallel_loop3A_396 : vector<16xf32>
      %parallel_loop3A_479 = arith.constant 16 : i32
      %parallel_loop3A_480 = arith.muli %parallel_loop3A_272, %parallel_loop3A_479 : i32
      %parallel_loop3A_481 = arith.constant 10 : i32
      %parallel_loop3A_482 = arith.index_cast %parallel_loop3A_481 : i32 to index
      %parallel_loop3A_483 = arith.index_cast %parallel_loop3A_480 : i32 to index
      %parallel_loop3A_484 = tpu.vector_load %arg6[%parallel_loop3A_482, %parallel_loop3A_483] {strides = array<i32>} : memref<16x2048xf32, #tpu.memory_space<vmem>>, vector<16xf32>,
      tpu.vector_store %arg6[%parallel_loop3A_482, %parallel_loop3A_483], %parallel_loop3A_478 {strides = array<i32>} : memref<16x2048xf32, #tpu.memory_space<vmem>>, vector<16xf32>,
      %parallel_loop3A_485 = arith.mulf %parallel_loop3A_284, %parallel_loop3A_356 : vector<16xf32>
      %parallel_loop3A_486 = arith.addf %parallel_loop3A_485, %parallel_loop3A_396 : vector<16xf32>
      %parallel_loop3A_487 = arith.constant 16 : i32
      %parallel_loop3A_488 = arith.muli %parallel_loop3A_272, %parallel_loop3A_487 : i32
      %parallel_loop3A_489 = arith.constant 11 : i32
      %parallel_loop3A_490 = arith.index_cast %parallel_loop3A_489 : i32 to index
      %parallel_loop3A_491 = arith.index_cast %parallel_loop3A_488 : i32 to index
      %parallel_loop3A_492 = tpu.vector_load %arg6[%parallel_loop3A_490, %parallel_loop3A_491] {strides = array<i32>} : memref<16x2048xf32, #tpu.memory_space<vmem>>, vector<16xf32>,
      tpu.vector_store %arg6[%parallel_loop3A_490, %parallel_loop3A_491], %parallel_loop3A_486 {strides = array<i32>} : memref<16x2048xf32, #tpu.memory_space<vmem>>, vector<16xf32>,
      %parallel_loop3A_493 = arith.mulf %parallel_loop3A_284, %parallel_loop3A_362 : vector<16xf32>
      %parallel_loop3A_494 = arith.addf %parallel_loop3A_493, %parallel_loop3A_396 : vector<16xf32>
      %parallel_loop3A_495 = arith.constant 16 : i32
      %parallel_loop3A_496 = arith.muli %parallel_loop3A_272, %parallel_loop3A_495 : i32
      %parallel_loop3A_497 = arith.constant 12 : i32
      %parallel_loop3A_498 = arith.index_cast %parallel_loop3A_497 : i32 to index
      %parallel_loop3A_499 = arith.index_cast %parallel_loop3A_496 : i32 to index
      %parallel_loop3A_500 = tpu.vector_load %arg6[%parallel_loop3A_498, %parallel_loop3A_499] {strides = array<i32>} : memref<16x2048xf32, #tpu.memory_space<vmem>>, vector<16xf32>,
      tpu.vector_store %arg6[%parallel_loop3A_498, %parallel_loop3A_499], %parallel_loop3A_494 {strides = array<i32>} : memref<16x2048xf32, #tpu.memory_space<vmem>>, vector<16xf32>,
      %parallel_loop3A_501 = arith.mulf %parallel_loop3A_284, %parallel_loop3A_368 : vector<16xf32>
      %parallel_loop3A_502 = arith.addf %parallel_loop3A_501, %parallel_loop3A_396 : vector<16xf32>
      %parallel_loop3A_503 = arith.constant 16 : i32
      %parallel_loop3A_504 = arith.muli %parallel_loop3A_272, %parallel_loop3A_503 : i32
      %parallel_loop3A_505 = arith.constant 13 : i32
      %parallel_loop3A_506 = arith.index_cast %parallel_loop3A_505 : i32 to index
      %parallel_loop3A_507 = arith.index_cast %parallel_loop3A_504 : i32 to index
      %parallel_loop3A_508 = tpu.vector_load %arg6[%parallel_loop3A_506, %parallel_loop3A_507] {strides = array<i32>} : memref<16x2048xf32, #tpu.memory_space<vmem>>, vector<16xf32>,
      tpu.vector_store %arg6[%parallel_loop3A_506, %parallel_loop3A_507], %parallel_loop3A_502 {strides = array<i32>} : memref<16x2048xf32, #tpu.memory_space<vmem>>, vector<16xf32>,
      %parallel_loop3A_509 = arith.mulf %parallel_loop3A_284, %parallel_loop3A_374 : vector<16xf32>
      %parallel_loop3A_510 = arith.addf %parallel_loop3A_509, %parallel_loop3A_396 : vector<16xf32>
      %parallel_loop3A_511 = arith.constant 16 : i32
      %parallel_loop3A_512 = arith.muli %parallel_loop3A_272, %parallel_loop3A_511 : i32
      %parallel_loop3A_513 = arith.constant 14 : i32
      %parallel_loop3A_514 = arith.index_cast %parallel_loop3A_513 : i32 to index
      %parallel_loop3A_515 = arith.index_cast %parallel_loop3A_512 : i32 to index
      %parallel_loop3A_516 = tpu.vector_load %arg6[%parallel_loop3A_514, %parallel_loop3A_515] {strides = array<i32>} : memref<16x2048xf32, #tpu.memory_space<vmem>>, vector<16xf32>,
      tpu.vector_store %arg6[%parallel_loop3A_514, %parallel_loop3A_515], %parallel_loop3A_510 {strides = array<i32>} : memref<16x2048xf32, #tpu.memory_space<vmem>>, vector<16xf32>,
      %parallel_loop3A_517 = arith.mulf %parallel_loop3A_284, %parallel_loop3A_380 : vector<16xf32>
      %parallel_loop3A_518 = arith.addf %parallel_loop3A_517, %parallel_loop3A_396 : vector<16xf32>
      %parallel_loop3A_519 = arith.constant 16 : i32
      %parallel_loop3A_520 = arith.muli %parallel_loop3A_272, %parallel_loop3A_519 : i32
      %parallel_loop3A_521 = arith.constant 15 : i32
      %parallel_loop3A_522 = arith.index_cast %parallel_loop3A_521 : i32 to index
      %parallel_loop3A_523 = arith.index_cast %parallel_loop3A_520 : i32 to index
      %parallel_loop3A_524 = tpu.vector_load %arg6[%parallel_loop3A_522, %parallel_loop3A_523] {strides = array<i32>} : memref<16x2048xf32, #tpu.memory_space<vmem>>, vector<16xf32>,
      tpu.vector_store %arg6[%parallel_loop3A_522, %parallel_loop3A_523], %parallel_loop3A_518 {strides = array<i32>} : memref<16x2048xf32, #tpu.memory_space<vmem>>, vector<16xf32>,
    } {sc.loop_unroll_factor = 4 : i64, sc.parallel_access}
    %dma_start3A_247 = arith.constant 0 : i32
    %dma_start3A_248 = tpu.memref_slice %arg5[%dma_start3A_247, %mul3A_2] : memref<16x131072xf32, #tpu.memory_space<hbm>> -> memref<16x2048xf32, #tpu.memory_space<hbm>>
    %dma_start3A_249 = arith.constant 0 : i32
    %dma_start3A_250 = tpu.memref_slice %arg5[%dma_start3A_249, %mul3A_2] : memref<16x131072xf32, #tpu.memory_space<hbm>> -> memref<16x2048xf32, #tpu.memory_space<hbm>>
    tpu.enqueue_dma source(%arg6 : memref<16x2048xf32, #tpu.memory_space<vmem>>) target(%dma_start3A_250 : memref<16x2048xf32, #tpu.memory_space<hbm>>) target_semaphore(%arg13 : memref<!tpu.dma_semaphore, #tpu.memory_space<semaphore_mem>>)
    %dma_wait3A_251 = arith.constant 0 : i32
    %dma_wait3A_252 = tpu.memref_slice %arg2[%dma_wait3A_251, %add3A_7] : memref<16x131072xf32, #tpu.memory_space<hbm>> -> memref<16x2048xf32, #tpu.memory_space<hbm>>
    %dma_wait3A_253 = arith.constant 0 : i32
    %dma_wait3A_254 = tpu.memref_slice %arg2[%dma_wait3A_253, %add3A_7] : memref<16x131072xf32, #tpu.memory_space<hbm>> -> memref<16x2048xf32, #tpu.memory_space<hbm>>
    tpu.wait_dma2 semaphore(%arg12 : memref<!tpu.dma_semaphore, #tpu.memory_space<semaphore_mem>>) src(%dma_wait3A_254 : memref<16x2048xf32, #tpu.memory_space<hbm>>) dst(%arg7 : memref<16x2048xf32, #tpu.memory_space<vmem>>)
    %parallel_loop3A_255 = arith.constant 0 : i32
    %parallel_loop3A_256 = arith.constant 128 : i32
    %parallel_loop3A_257 = arith.constant 1 : i32
    scf.for %parallel_loop3A_272 = %parallel_loop3A_255 to %parallel_loop3A_256 step %parallel_loop3A_257  : i32 {
      %parallel_loop3A_273 = arith.constant 16 : i32
      %parallel_loop3A_274 = arith.muli %parallel_loop3A_272, %parallel_loop3A_273 : i32
      %parallel_loop3A_275 = arith.constant 2048 : i32
      %parallel_loop3A_276 = arith.addi %parallel_loop3A_275, %parallel_loop3A_274 : i32
      %parallel_loop3A_277 = arith.index_cast %parallel_loop3A_276 : i32 to index
      %parallel_loop3A_278 = tpu.vector_load %arg8[%parallel_loop3A_277] {strides = array<i32>} : memref<4096xi32, #tpu.memory_space<vmem>>, vector<16xi32>,
      %parallel_loop3A_279 = tpu.vector_load_idx %arg10[%parallel_loop3A_278] : memref<608xf32, #tpu.memory_space<vmem>>[vector<16xi32>], vector<16xf32>,
      %parallel_loop3A_280 = arith.constant 304 : i32
      %parallel_loop3A_281 = vector.broadcast %parallel_loop3A_280 : i32 to vector<16xi32>
      %parallel_loop3A_282 = arith.addi %parallel_loop3A_278, %parallel_loop3A_281 : vector<16xi32>
      %parallel_loop3A_283 = tpu.vector_load_idx %arg10[%parallel_loop3A_282] : memref<608xf32, #tpu.memory_space<vmem>>[vector<16xi32>], vector<16xf32>,
      %parallel_loop3A_284 = arith.subf %parallel_loop3A_279, %parallel_loop3A_283 : vector<16xf32>
      %parallel_loop3A_285 = arith.constant 16 : i32
      %parallel_loop3A_286 = arith.muli %parallel_loop3A_272, %parallel_loop3A_285 : i32
      %parallel_loop3A_287 = arith.constant 0 : i32
      %parallel_loop3A_288 = arith.index_cast %parallel_loop3A_287 : i32 to index
      %parallel_loop3A_289 = arith.index_cast %parallel_loop3A_286 : i32 to index
      %parallel_loop3A_290 = tpu.vector_load %arg7[%parallel_loop3A_288, %parallel_loop3A_289] {strides = array<i32>} : memref<16x2048xf32, #tpu.memory_space<vmem>>, vector<16xf32>,
      %parallel_loop3A_291 = arith.constant 16 : i32
      %parallel_loop3A_292 = arith.muli %parallel_loop3A_272, %parallel_loop3A_291 : i32
      %parallel_loop3A_293 = arith.constant 1 : i32
      %parallel_loop3A_294 = arith.index_cast %parallel_loop3A_293 : i32 to index
      %parallel_loop3A_295 = arith.index_cast %parallel_loop3A_292 : i32 to index
      %parallel_loop3A_296 = tpu.vector_load %arg7[%parallel_loop3A_294, %parallel_loop3A_295] {strides = array<i32>} : memref<16x2048xf32, #tpu.memory_space<vmem>>, vector<16xf32>,
      %parallel_loop3A_297 = arith.constant 16 : i32
      %parallel_loop3A_298 = arith.muli %parallel_loop3A_272, %parallel_loop3A_297 : i32
      %parallel_loop3A_299 = arith.constant 2 : i32
      %parallel_loop3A_300 = arith.index_cast %parallel_loop3A_299 : i32 to index
      %parallel_loop3A_301 = arith.index_cast %parallel_loop3A_298 : i32 to index
      %parallel_loop3A_302 = tpu.vector_load %arg7[%parallel_loop3A_300, %parallel_loop3A_301] {strides = array<i32>} : memref<16x2048xf32, #tpu.memory_space<vmem>>, vector<16xf32>,
      %parallel_loop3A_303 = arith.constant 16 : i32
      %parallel_loop3A_304 = arith.muli %parallel_loop3A_272, %parallel_loop3A_303 : i32
      %parallel_loop3A_305 = arith.constant 3 : i32
      %parallel_loop3A_306 = arith.index_cast %parallel_loop3A_305 : i32 to index
      %parallel_loop3A_307 = arith.index_cast %parallel_loop3A_304 : i32 to index
      %parallel_loop3A_308 = tpu.vector_load %arg7[%parallel_loop3A_306, %parallel_loop3A_307] {strides = array<i32>} : memref<16x2048xf32, #tpu.memory_space<vmem>>, vector<16xf32>,
      %parallel_loop3A_309 = arith.constant 16 : i32
      %parallel_loop3A_310 = arith.muli %parallel_loop3A_272, %parallel_loop3A_309 : i32
      %parallel_loop3A_311 = arith.constant 4 : i32
      %parallel_loop3A_312 = arith.index_cast %parallel_loop3A_311 : i32 to index
      %parallel_loop3A_313 = arith.index_cast %parallel_loop3A_310 : i32 to index
      %parallel_loop3A_314 = tpu.vector_load %arg7[%parallel_loop3A_312, %parallel_loop3A_313] {strides = array<i32>} : memref<16x2048xf32, #tpu.memory_space<vmem>>, vector<16xf32>,
      %parallel_loop3A_315 = arith.constant 16 : i32
      %parallel_loop3A_316 = arith.muli %parallel_loop3A_272, %parallel_loop3A_315 : i32
      %parallel_loop3A_317 = arith.constant 5 : i32
      %parallel_loop3A_318 = arith.index_cast %parallel_loop3A_317 : i32 to index
      %parallel_loop3A_319 = arith.index_cast %parallel_loop3A_316 : i32 to index
      %parallel_loop3A_320 = tpu.vector_load %arg7[%parallel_loop3A_318, %parallel_loop3A_319] {strides = array<i32>} : memref<16x2048xf32, #tpu.memory_space<vmem>>, vector<16xf32>,
      %parallel_loop3A_321 = arith.constant 16 : i32
      %parallel_loop3A_322 = arith.muli %parallel_loop3A_272, %parallel_loop3A_321 : i32
      %parallel_loop3A_323 = arith.constant 6 : i32
      %parallel_loop3A_324 = arith.index_cast %parallel_loop3A_323 : i32 to index
      %parallel_loop3A_325 = arith.index_cast %parallel_loop3A_322 : i32 to index
      %parallel_loop3A_326 = tpu.vector_load %arg7[%parallel_loop3A_324, %parallel_loop3A_325] {strides = array<i32>} : memref<16x2048xf32, #tpu.memory_space<vmem>>, vector<16xf32>,
      %parallel_loop3A_327 = arith.constant 16 : i32
      %parallel_loop3A_328 = arith.muli %parallel_loop3A_272, %parallel_loop3A_327 : i32
      %parallel_loop3A_329 = arith.constant 7 : i32
      %parallel_loop3A_330 = arith.index_cast %parallel_loop3A_329 : i32 to index
      %parallel_loop3A_331 = arith.index_cast %parallel_loop3A_328 : i32 to index
      %parallel_loop3A_332 = tpu.vector_load %arg7[%parallel_loop3A_330, %parallel_loop3A_331] {strides = array<i32>} : memref<16x2048xf32, #tpu.memory_space<vmem>>, vector<16xf32>,
      %parallel_loop3A_333 = arith.constant 16 : i32
      %parallel_loop3A_334 = arith.muli %parallel_loop3A_272, %parallel_loop3A_333 : i32
      %parallel_loop3A_335 = arith.constant 8 : i32
      %parallel_loop3A_336 = arith.index_cast %parallel_loop3A_335 : i32 to index
      %parallel_loop3A_337 = arith.index_cast %parallel_loop3A_334 : i32 to index
      %parallel_loop3A_338 = tpu.vector_load %arg7[%parallel_loop3A_336, %parallel_loop3A_337] {strides = array<i32>} : memref<16x2048xf32, #tpu.memory_space<vmem>>, vector<16xf32>,
      %parallel_loop3A_339 = arith.constant 16 : i32
      %parallel_loop3A_340 = arith.muli %parallel_loop3A_272, %parallel_loop3A_339 : i32
      %parallel_loop3A_341 = arith.constant 9 : i32
      %parallel_loop3A_342 = arith.index_cast %parallel_loop3A_341 : i32 to index
      %parallel_loop3A_343 = arith.index_cast %parallel_loop3A_340 : i32 to index
      %parallel_loop3A_344 = tpu.vector_load %arg7[%parallel_loop3A_342, %parallel_loop3A_343] {strides = array<i32>} : memref<16x2048xf32, #tpu.memory_space<vmem>>, vector<16xf32>,
      %parallel_loop3A_345 = arith.constant 16 : i32
      %parallel_loop3A_346 = arith.muli %parallel_loop3A_272, %parallel_loop3A_345 : i32
      %parallel_loop3A_347 = arith.constant 10 : i32
      %parallel_loop3A_348 = arith.index_cast %parallel_loop3A_347 : i32 to index
      %parallel_loop3A_349 = arith.index_cast %parallel_loop3A_346 : i32 to index
      %parallel_loop3A_350 = tpu.vector_load %arg7[%parallel_loop3A_348, %parallel_loop3A_349] {strides = array<i32>} : memref<16x2048xf32, #tpu.memory_space<vmem>>, vector<16xf32>,
      %parallel_loop3A_351 = arith.constant 16 : i32
      %parallel_loop3A_352 = arith.muli %parallel_loop3A_272, %parallel_loop3A_351 : i32
      %parallel_loop3A_353 = arith.constant 11 : i32
      %parallel_loop3A_354 = arith.index_cast %parallel_loop3A_353 : i32 to index
      %parallel_loop3A_355 = arith.index_cast %parallel_loop3A_352 : i32 to index
      %parallel_loop3A_356 = tpu.vector_load %arg7[%parallel_loop3A_354, %parallel_loop3A_355] {strides = array<i32>} : memref<16x2048xf32, #tpu.memory_space<vmem>>, vector<16xf32>,
      %parallel_loop3A_357 = arith.constant 16 : i32
      %parallel_loop3A_358 = arith.muli %parallel_loop3A_272, %parallel_loop3A_357 : i32
      %parallel_loop3A_359 = arith.constant 12 : i32
      %parallel_loop3A_360 = arith.index_cast %parallel_loop3A_359 : i32 to index
      %parallel_loop3A_361 = arith.index_cast %parallel_loop3A_358 : i32 to index
      %parallel_loop3A_362 = tpu.vector_load %arg7[%parallel_loop3A_360, %parallel_loop3A_361] {strides = array<i32>} : memref<16x2048xf32, #tpu.memory_space<vmem>>, vector<16xf32>,
      %parallel_loop3A_363 = arith.constant 16 : i32
      %parallel_loop3A_364 = arith.muli %parallel_loop3A_272, %parallel_loop3A_363 : i32
      %parallel_loop3A_365 = arith.constant 13 : i32
      %parallel_loop3A_366 = arith.index_cast %parallel_loop3A_365 : i32 to index
      %parallel_loop3A_367 = arith.index_cast %parallel_loop3A_364 : i32 to index
      %parallel_loop3A_368 = tpu.vector_load %arg7[%parallel_loop3A_366, %parallel_loop3A_367] {strides = array<i32>} : memref<16x2048xf32, #tpu.memory_space<vmem>>, vector<16xf32>,
      %parallel_loop3A_369 = arith.constant 16 : i32
      %parallel_loop3A_370 = arith.muli %parallel_loop3A_272, %parallel_loop3A_369 : i32
      %parallel_loop3A_371 = arith.constant 14 : i32
      %parallel_loop3A_372 = arith.index_cast %parallel_loop3A_371 : i32 to index
      %parallel_loop3A_373 = arith.index_cast %parallel_loop3A_370 : i32 to index
      %parallel_loop3A_374 = tpu.vector_load %arg7[%parallel_loop3A_372, %parallel_loop3A_373] {strides = array<i32>} : memref<16x2048xf32, #tpu.memory_space<vmem>>, vector<16xf32>,
      %parallel_loop3A_375 = arith.constant 16 : i32
      %parallel_loop3A_376 = arith.muli %parallel_loop3A_272, %parallel_loop3A_375 : i32
      %parallel_loop3A_377 = arith.constant 15 : i32
      %parallel_loop3A_378 = arith.index_cast %parallel_loop3A_377 : i32 to index
      %parallel_loop3A_379 = arith.index_cast %parallel_loop3A_376 : i32 to index
      %parallel_loop3A_380 = tpu.vector_load %arg7[%parallel_loop3A_378, %parallel_loop3A_379] {strides = array<i32>} : memref<16x2048xf32, #tpu.memory_space<vmem>>, vector<16xf32>,
      %parallel_loop3A_381 = arith.addf %parallel_loop3A_290, %parallel_loop3A_296 : vector<16xf32>
      %parallel_loop3A_382 = arith.addf %parallel_loop3A_302, %parallel_loop3A_308 : vector<16xf32>
      %parallel_loop3A_383 = arith.addf %parallel_loop3A_314, %parallel_loop3A_320 : vector<16xf32>
      %parallel_loop3A_384 = arith.addf %parallel_loop3A_326, %parallel_loop3A_332 : vector<16xf32>
      %parallel_loop3A_385 = arith.addf %parallel_loop3A_338, %parallel_loop3A_344 : vector<16xf32>
      %parallel_loop3A_386 = arith.addf %parallel_loop3A_350, %parallel_loop3A_356 : vector<16xf32>
      %parallel_loop3A_387 = arith.addf %parallel_loop3A_362, %parallel_loop3A_368 : vector<16xf32>
      %parallel_loop3A_388 = arith.addf %parallel_loop3A_374, %parallel_loop3A_380 : vector<16xf32>
      %parallel_loop3A_389 = arith.addf %parallel_loop3A_381, %parallel_loop3A_382 : vector<16xf32>
      %parallel_loop3A_390 = arith.addf %parallel_loop3A_383, %parallel_loop3A_384 : vector<16xf32>
      %parallel_loop3A_391 = arith.addf %parallel_loop3A_385, %parallel_loop3A_386 : vector<16xf32>
      %parallel_loop3A_392 = arith.addf %parallel_loop3A_387, %parallel_loop3A_388 : vector<16xf32>
      %parallel_loop3A_393 = arith.addf %parallel_loop3A_389, %parallel_loop3A_390 : vector<16xf32>
      %parallel_loop3A_394 = arith.addf %parallel_loop3A_391, %parallel_loop3A_392 : vector<16xf32>
      %parallel_loop3A_395 = arith.addf %parallel_loop3A_393, %parallel_loop3A_394 : vector<16xf32>
      %parallel_loop3A_396 = arith.mulf %parallel_loop3A_283, %parallel_loop3A_395 : vector<16xf32>
      %parallel_loop3A_397 = arith.mulf %parallel_loop3A_284, %parallel_loop3A_290 : vector<16xf32>
      %parallel_loop3A_398 = arith.addf %parallel_loop3A_397, %parallel_loop3A_396 : vector<16xf32>
      %parallel_loop3A_399 = arith.constant 16 : i32
      %parallel_loop3A_400 = arith.muli %parallel_loop3A_272, %parallel_loop3A_399 : i32
      %parallel_loop3A_401 = arith.constant 0 : i32
      %parallel_loop3A_402 = arith.index_cast %parallel_loop3A_401 : i32 to index
      %parallel_loop3A_403 = arith.index_cast %parallel_loop3A_400 : i32 to index
      %parallel_loop3A_404 = tpu.vector_load %arg7[%parallel_loop3A_402, %parallel_loop3A_403] {strides = array<i32>} : memref<16x2048xf32, #tpu.memory_space<vmem>>, vector<16xf32>,
      tpu.vector_store %arg7[%parallel_loop3A_402, %parallel_loop3A_403], %parallel_loop3A_398 {strides = array<i32>} : memref<16x2048xf32, #tpu.memory_space<vmem>>, vector<16xf32>,
      %parallel_loop3A_405 = arith.mulf %parallel_loop3A_284, %parallel_loop3A_296 : vector<16xf32>
      %parallel_loop3A_406 = arith.addf %parallel_loop3A_405, %parallel_loop3A_396 : vector<16xf32>
      %parallel_loop3A_407 = arith.constant 16 : i32
      %parallel_loop3A_408 = arith.muli %parallel_loop3A_272, %parallel_loop3A_407 : i32
      %parallel_loop3A_409 = arith.constant 1 : i32
      %parallel_loop3A_410 = arith.index_cast %parallel_loop3A_409 : i32 to index
      %parallel_loop3A_411 = arith.index_cast %parallel_loop3A_408 : i32 to index
      %parallel_loop3A_412 = tpu.vector_load %arg7[%parallel_loop3A_410, %parallel_loop3A_411] {strides = array<i32>} : memref<16x2048xf32, #tpu.memory_space<vmem>>, vector<16xf32>,
      tpu.vector_store %arg7[%parallel_loop3A_410, %parallel_loop3A_411], %parallel_loop3A_406 {strides = array<i32>} : memref<16x2048xf32, #tpu.memory_space<vmem>>, vector<16xf32>,
      %parallel_loop3A_413 = arith.mulf %parallel_loop3A_284, %parallel_loop3A_302 : vector<16xf32>
      %parallel_loop3A_414 = arith.addf %parallel_loop3A_413, %parallel_loop3A_396 : vector<16xf32>
      %parallel_loop3A_415 = arith.constant 16 : i32
      %parallel_loop3A_416 = arith.muli %parallel_loop3A_272, %parallel_loop3A_415 : i32
      %parallel_loop3A_417 = arith.constant 2 : i32
      %parallel_loop3A_418 = arith.index_cast %parallel_loop3A_417 : i32 to index
      %parallel_loop3A_419 = arith.index_cast %parallel_loop3A_416 : i32 to index
      %parallel_loop3A_420 = tpu.vector_load %arg7[%parallel_loop3A_418, %parallel_loop3A_419] {strides = array<i32>} : memref<16x2048xf32, #tpu.memory_space<vmem>>, vector<16xf32>,
      tpu.vector_store %arg7[%parallel_loop3A_418, %parallel_loop3A_419], %parallel_loop3A_414 {strides = array<i32>} : memref<16x2048xf32, #tpu.memory_space<vmem>>, vector<16xf32>,
      %parallel_loop3A_421 = arith.mulf %parallel_loop3A_284, %parallel_loop3A_308 : vector<16xf32>
      %parallel_loop3A_422 = arith.addf %parallel_loop3A_421, %parallel_loop3A_396 : vector<16xf32>
      %parallel_loop3A_423 = arith.constant 16 : i32
      %parallel_loop3A_424 = arith.muli %parallel_loop3A_272, %parallel_loop3A_423 : i32
      %parallel_loop3A_425 = arith.constant 3 : i32
      %parallel_loop3A_426 = arith.index_cast %parallel_loop3A_425 : i32 to index
      %parallel_loop3A_427 = arith.index_cast %parallel_loop3A_424 : i32 to index
      %parallel_loop3A_428 = tpu.vector_load %arg7[%parallel_loop3A_426, %parallel_loop3A_427] {strides = array<i32>} : memref<16x2048xf32, #tpu.memory_space<vmem>>, vector<16xf32>,
      tpu.vector_store %arg7[%parallel_loop3A_426, %parallel_loop3A_427], %parallel_loop3A_422 {strides = array<i32>} : memref<16x2048xf32, #tpu.memory_space<vmem>>, vector<16xf32>,
      %parallel_loop3A_429 = arith.mulf %parallel_loop3A_284, %parallel_loop3A_314 : vector<16xf32>
      %parallel_loop3A_430 = arith.addf %parallel_loop3A_429, %parallel_loop3A_396 : vector<16xf32>
      %parallel_loop3A_431 = arith.constant 16 : i32
      %parallel_loop3A_432 = arith.muli %parallel_loop3A_272, %parallel_loop3A_431 : i32
      %parallel_loop3A_433 = arith.constant 4 : i32
      %parallel_loop3A_434 = arith.index_cast %parallel_loop3A_433 : i32 to index
      %parallel_loop3A_435 = arith.index_cast %parallel_loop3A_432 : i32 to index
      %parallel_loop3A_436 = tpu.vector_load %arg7[%parallel_loop3A_434, %parallel_loop3A_435] {strides = array<i32>} : memref<16x2048xf32, #tpu.memory_space<vmem>>, vector<16xf32>,
      tpu.vector_store %arg7[%parallel_loop3A_434, %parallel_loop3A_435], %parallel_loop3A_430 {strides = array<i32>} : memref<16x2048xf32, #tpu.memory_space<vmem>>, vector<16xf32>,
      %parallel_loop3A_437 = arith.mulf %parallel_loop3A_284, %parallel_loop3A_320 : vector<16xf32>
      %parallel_loop3A_438 = arith.addf %parallel_loop3A_437, %parallel_loop3A_396 : vector<16xf32>
      %parallel_loop3A_439 = arith.constant 16 : i32
      %parallel_loop3A_440 = arith.muli %parallel_loop3A_272, %parallel_loop3A_439 : i32
      %parallel_loop3A_441 = arith.constant 5 : i32
      %parallel_loop3A_442 = arith.index_cast %parallel_loop3A_441 : i32 to index
      %parallel_loop3A_443 = arith.index_cast %parallel_loop3A_440 : i32 to index
      %parallel_loop3A_444 = tpu.vector_load %arg7[%parallel_loop3A_442, %parallel_loop3A_443] {strides = array<i32>} : memref<16x2048xf32, #tpu.memory_space<vmem>>, vector<16xf32>,
      tpu.vector_store %arg7[%parallel_loop3A_442, %parallel_loop3A_443], %parallel_loop3A_438 {strides = array<i32>} : memref<16x2048xf32, #tpu.memory_space<vmem>>, vector<16xf32>,
      %parallel_loop3A_445 = arith.mulf %parallel_loop3A_284, %parallel_loop3A_326 : vector<16xf32>
      %parallel_loop3A_446 = arith.addf %parallel_loop3A_445, %parallel_loop3A_396 : vector<16xf32>
      %parallel_loop3A_447 = arith.constant 16 : i32
      %parallel_loop3A_448 = arith.muli %parallel_loop3A_272, %parallel_loop3A_447 : i32
      %parallel_loop3A_449 = arith.constant 6 : i32
      %parallel_loop3A_450 = arith.index_cast %parallel_loop3A_449 : i32 to index
      %parallel_loop3A_451 = arith.index_cast %parallel_loop3A_448 : i32 to index
      %parallel_loop3A_452 = tpu.vector_load %arg7[%parallel_loop3A_450, %parallel_loop3A_451] {strides = array<i32>} : memref<16x2048xf32, #tpu.memory_space<vmem>>, vector<16xf32>,
      tpu.vector_store %arg7[%parallel_loop3A_450, %parallel_loop3A_451], %parallel_loop3A_446 {strides = array<i32>} : memref<16x2048xf32, #tpu.memory_space<vmem>>, vector<16xf32>,
      %parallel_loop3A_453 = arith.mulf %parallel_loop3A_284, %parallel_loop3A_332 : vector<16xf32>
      %parallel_loop3A_454 = arith.addf %parallel_loop3A_453, %parallel_loop3A_396 : vector<16xf32>
      %parallel_loop3A_455 = arith.constant 16 : i32
      %parallel_loop3A_456 = arith.muli %parallel_loop3A_272, %parallel_loop3A_455 : i32
      %parallel_loop3A_457 = arith.constant 7 : i32
      %parallel_loop3A_458 = arith.index_cast %parallel_loop3A_457 : i32 to index
      %parallel_loop3A_459 = arith.index_cast %parallel_loop3A_456 : i32 to index
      %parallel_loop3A_460 = tpu.vector_load %arg7[%parallel_loop3A_458, %parallel_loop3A_459] {strides = array<i32>} : memref<16x2048xf32, #tpu.memory_space<vmem>>, vector<16xf32>,
      tpu.vector_store %arg7[%parallel_loop3A_458, %parallel_loop3A_459], %parallel_loop3A_454 {strides = array<i32>} : memref<16x2048xf32, #tpu.memory_space<vmem>>, vector<16xf32>,
      %parallel_loop3A_461 = arith.mulf %parallel_loop3A_284, %parallel_loop3A_338 : vector<16xf32>
      %parallel_loop3A_462 = arith.addf %parallel_loop3A_461, %parallel_loop3A_396 : vector<16xf32>
      %parallel_loop3A_463 = arith.constant 16 : i32
      %parallel_loop3A_464 = arith.muli %parallel_loop3A_272, %parallel_loop3A_463 : i32
      %parallel_loop3A_465 = arith.constant 8 : i32
      %parallel_loop3A_466 = arith.index_cast %parallel_loop3A_465 : i32 to index
      %parallel_loop3A_467 = arith.index_cast %parallel_loop3A_464 : i32 to index
      %parallel_loop3A_468 = tpu.vector_load %arg7[%parallel_loop3A_466, %parallel_loop3A_467] {strides = array<i32>} : memref<16x2048xf32, #tpu.memory_space<vmem>>, vector<16xf32>,
      tpu.vector_store %arg7[%parallel_loop3A_466, %parallel_loop3A_467], %parallel_loop3A_462 {strides = array<i32>} : memref<16x2048xf32, #tpu.memory_space<vmem>>, vector<16xf32>,
      %parallel_loop3A_469 = arith.mulf %parallel_loop3A_284, %parallel_loop3A_344 : vector<16xf32>
      %parallel_loop3A_470 = arith.addf %parallel_loop3A_469, %parallel_loop3A_396 : vector<16xf32>
      %parallel_loop3A_471 = arith.constant 16 : i32
      %parallel_loop3A_472 = arith.muli %parallel_loop3A_272, %parallel_loop3A_471 : i32
      %parallel_loop3A_473 = arith.constant 9 : i32
      %parallel_loop3A_474 = arith.index_cast %parallel_loop3A_473 : i32 to index
      %parallel_loop3A_475 = arith.index_cast %parallel_loop3A_472 : i32 to index
      %parallel_loop3A_476 = tpu.vector_load %arg7[%parallel_loop3A_474, %parallel_loop3A_475] {strides = array<i32>} : memref<16x2048xf32, #tpu.memory_space<vmem>>, vector<16xf32>,
      tpu.vector_store %arg7[%parallel_loop3A_474, %parallel_loop3A_475], %parallel_loop3A_470 {strides = array<i32>} : memref<16x2048xf32, #tpu.memory_space<vmem>>, vector<16xf32>,
      %parallel_loop3A_477 = arith.mulf %parallel_loop3A_284, %parallel_loop3A_350 : vector<16xf32>
      %parallel_loop3A_478 = arith.addf %parallel_loop3A_477, %parallel_loop3A_396 : vector<16xf32>
      %parallel_loop3A_479 = arith.constant 16 : i32
      %parallel_loop3A_480 = arith.muli %parallel_loop3A_272, %parallel_loop3A_479 : i32
      %parallel_loop3A_481 = arith.constant 10 : i32
      %parallel_loop3A_482 = arith.index_cast %parallel_loop3A_481 : i32 to index
      %parallel_loop3A_483 = arith.index_cast %parallel_loop3A_480 : i32 to index
      %parallel_loop3A_484 = tpu.vector_load %arg7[%parallel_loop3A_482, %parallel_loop3A_483] {strides = array<i32>} : memref<16x2048xf32, #tpu.memory_space<vmem>>, vector<16xf32>,
      tpu.vector_store %arg7[%parallel_loop3A_482, %parallel_loop3A_483], %parallel_loop3A_478 {strides = array<i32>} : memref<16x2048xf32, #tpu.memory_space<vmem>>, vector<16xf32>,
      %parallel_loop3A_485 = arith.mulf %parallel_loop3A_284, %parallel_loop3A_356 : vector<16xf32>
      %parallel_loop3A_486 = arith.addf %parallel_loop3A_485, %parallel_loop3A_396 : vector<16xf32>
      %parallel_loop3A_487 = arith.constant 16 : i32
      %parallel_loop3A_488 = arith.muli %parallel_loop3A_272, %parallel_loop3A_487 : i32
      %parallel_loop3A_489 = arith.constant 11 : i32
      %parallel_loop3A_490 = arith.index_cast %parallel_loop3A_489 : i32 to index
      %parallel_loop3A_491 = arith.index_cast %parallel_loop3A_488 : i32 to index
      %parallel_loop3A_492 = tpu.vector_load %arg7[%parallel_loop3A_490, %parallel_loop3A_491] {strides = array<i32>} : memref<16x2048xf32, #tpu.memory_space<vmem>>, vector<16xf32>,
      tpu.vector_store %arg7[%parallel_loop3A_490, %parallel_loop3A_491], %parallel_loop3A_486 {strides = array<i32>} : memref<16x2048xf32, #tpu.memory_space<vmem>>, vector<16xf32>,
      %parallel_loop3A_493 = arith.mulf %parallel_loop3A_284, %parallel_loop3A_362 : vector<16xf32>
      %parallel_loop3A_494 = arith.addf %parallel_loop3A_493, %parallel_loop3A_396 : vector<16xf32>
      %parallel_loop3A_495 = arith.constant 16 : i32
      %parallel_loop3A_496 = arith.muli %parallel_loop3A_272, %parallel_loop3A_495 : i32
      %parallel_loop3A_497 = arith.constant 12 : i32
      %parallel_loop3A_498 = arith.index_cast %parallel_loop3A_497 : i32 to index
      %parallel_loop3A_499 = arith.index_cast %parallel_loop3A_496 : i32 to index
      %parallel_loop3A_500 = tpu.vector_load %arg7[%parallel_loop3A_498, %parallel_loop3A_499] {strides = array<i32>} : memref<16x2048xf32, #tpu.memory_space<vmem>>, vector<16xf32>,
      tpu.vector_store %arg7[%parallel_loop3A_498, %parallel_loop3A_499], %parallel_loop3A_494 {strides = array<i32>} : memref<16x2048xf32, #tpu.memory_space<vmem>>, vector<16xf32>,
      %parallel_loop3A_501 = arith.mulf %parallel_loop3A_284, %parallel_loop3A_368 : vector<16xf32>
      %parallel_loop3A_502 = arith.addf %parallel_loop3A_501, %parallel_loop3A_396 : vector<16xf32>
      %parallel_loop3A_503 = arith.constant 16 : i32
      %parallel_loop3A_504 = arith.muli %parallel_loop3A_272, %parallel_loop3A_503 : i32
      %parallel_loop3A_505 = arith.constant 13 : i32
      %parallel_loop3A_506 = arith.index_cast %parallel_loop3A_505 : i32 to index
      %parallel_loop3A_507 = arith.index_cast %parallel_loop3A_504 : i32 to index
      %parallel_loop3A_508 = tpu.vector_load %arg7[%parallel_loop3A_506, %parallel_loop3A_507] {strides = array<i32>} : memref<16x2048xf32, #tpu.memory_space<vmem>>, vector<16xf32>,
      tpu.vector_store %arg7[%parallel_loop3A_506, %parallel_loop3A_507], %parallel_loop3A_502 {strides = array<i32>} : memref<16x2048xf32, #tpu.memory_space<vmem>>, vector<16xf32>,
      %parallel_loop3A_509 = arith.mulf %parallel_loop3A_284, %parallel_loop3A_374 : vector<16xf32>
      %parallel_loop3A_510 = arith.addf %parallel_loop3A_509, %parallel_loop3A_396 : vector<16xf32>
      %parallel_loop3A_511 = arith.constant 16 : i32
      %parallel_loop3A_512 = arith.muli %parallel_loop3A_272, %parallel_loop3A_511 : i32
      %parallel_loop3A_513 = arith.constant 14 : i32
      %parallel_loop3A_514 = arith.index_cast %parallel_loop3A_513 : i32 to index
      %parallel_loop3A_515 = arith.index_cast %parallel_loop3A_512 : i32 to index
      %parallel_loop3A_516 = tpu.vector_load %arg7[%parallel_loop3A_514, %parallel_loop3A_515] {strides = array<i32>} : memref<16x2048xf32, #tpu.memory_space<vmem>>, vector<16xf32>,
      tpu.vector_store %arg7[%parallel_loop3A_514, %parallel_loop3A_515], %parallel_loop3A_510 {strides = array<i32>} : memref<16x2048xf32, #tpu.memory_space<vmem>>, vector<16xf32>,
      %parallel_loop3A_517 = arith.mulf %parallel_loop3A_284, %parallel_loop3A_380 : vector<16xf32>
      %parallel_loop3A_518 = arith.addf %parallel_loop3A_517, %parallel_loop3A_396 : vector<16xf32>
      %parallel_loop3A_519 = arith.constant 16 : i32
      %parallel_loop3A_520 = arith.muli %parallel_loop3A_272, %parallel_loop3A_519 : i32
      %parallel_loop3A_521 = arith.constant 15 : i32
      %parallel_loop3A_522 = arith.index_cast %parallel_loop3A_521 : i32 to index
      %parallel_loop3A_523 = arith.index_cast %parallel_loop3A_520 : i32 to index
      %parallel_loop3A_524 = tpu.vector_load %arg7[%parallel_loop3A_522, %parallel_loop3A_523] {strides = array<i32>} : memref<16x2048xf32, #tpu.memory_space<vmem>>, vector<16xf32>,
      tpu.vector_store %arg7[%parallel_loop3A_522, %parallel_loop3A_523], %parallel_loop3A_518 {strides = array<i32>} : memref<16x2048xf32, #tpu.memory_space<vmem>>, vector<16xf32>,
    } {sc.loop_unroll_factor = 4 : i64, sc.parallel_access}
    %add3A_258 = arith.constant 2048 : i32
    %add3A_259 = arith.addi %mul3A_2, %add3A_258 : i32
    %dma_start3A_260 = arith.constant 0 : i32
    %dma_start3A_261 = tpu.memref_slice %arg5[%dma_start3A_260, %add3A_259] : memref<16x131072xf32, #tpu.memory_space<hbm>> -> memref<16x2048xf32, #tpu.memory_space<hbm>>
    %dma_start3A_262 = arith.constant 0 : i32
    %dma_start3A_263 = tpu.memref_slice %arg5[%dma_start3A_262, %add3A_259] : memref<16x131072xf32, #tpu.memory_space<hbm>> -> memref<16x2048xf32, #tpu.memory_space<hbm>>
    tpu.enqueue_dma source(%arg7 : memref<16x2048xf32, #tpu.memory_space<vmem>>) target(%dma_start3A_263 : memref<16x2048xf32, #tpu.memory_space<hbm>>) target_semaphore(%arg14 : memref<!tpu.dma_semaphore, #tpu.memory_space<semaphore_mem>>)
    %dma_wait3A_264 = arith.constant 0 : i32
    %dma_wait3A_265 = tpu.memref_slice %arg5[%dma_wait3A_264, %mul3A_2] : memref<16x131072xf32, #tpu.memory_space<hbm>> -> memref<16x2048xf32, #tpu.memory_space<hbm>>
    %dma_wait3A_266 = arith.constant 0 : i32
    %dma_wait3A_267 = tpu.memref_slice %arg5[%dma_wait3A_266, %mul3A_2] : memref<16x131072xf32, #tpu.memory_space<hbm>> -> memref<16x2048xf32, #tpu.memory_space<hbm>>
    tpu.wait_dma2 semaphore(%arg13 : memref<!tpu.dma_semaphore, #tpu.memory_space<semaphore_mem>>) src(%arg6 : memref<16x2048xf32, #tpu.memory_space<vmem>>) dst(%dma_wait3A_267 : memref<16x2048xf32, #tpu.memory_space<hbm>>)
    %dma_wait3A_268 = arith.constant 0 : i32
    %dma_wait3A_269 = tpu.memref_slice %arg5[%dma_wait3A_268, %add3A_259] : memref<16x131072xf32, #tpu.memory_space<hbm>> -> memref<16x2048xf32, #tpu.memory_space<hbm>>
    %dma_wait3A_270 = arith.constant 0 : i32
    %dma_wait3A_271 = tpu.memref_slice %arg5[%dma_wait3A_270, %add3A_259] : memref<16x131072xf32, #tpu.memory_space<hbm>> -> memref<16x2048xf32, #tpu.memory_space<hbm>>
    tpu.wait_dma2 semaphore(%arg14 : memref<!tpu.dma_semaphore, #tpu.memory_space<semaphore_mem>>) src(%arg7 : memref<16x2048xf32, #tpu.memory_space<vmem>>) dst(%dma_wait3A_271 : memref<16x2048xf32, #tpu.memory_space<hbm>>)
    return
  }
}

</mosaic_0001>

<sc_bundles>
// kernel: _run.3.cloned.1.call-start
scs
__scs_entry_jumppad:
0x0: {  	(pc) =	sbr.rel $0x88, $3  }
0x1: {  	(tag) =	ssettag $0x0;
	lr =	simm.s32 $0x1  }
0x2: {  	[smem:$0x3F9E] =	sst lr;
	_ =	strace $0xD0000000  }
0x3: {  	_ = 	snop  }
0x4: {  	_ = 	snop  }
0x5: {  	_ = 	snop  }
0x6: {  	_ = 	snop  }
0x7: {  	_ = 	snop  }
__scs_overlays_trampoline_lowered:
0x8: {  	[smem:$0x3FAD] =	sst s0  }
0x9: {  	[smem:$0x3FAE] =	sst s1  }
0xa: {  	[smem:$0x3FAF] =	sst s2  }
0xb: {  	[smem:$0x3FB0] =	sst s3  }
0xc: {  	[smem:$0x3FB1] =	sst s4  }
0xd: {  	[smem:$0x3FB2] =	sst s5  }
0xe: {  	[smem:$0x3FB3] =	sst s6  }
0xf: {  	[smem:$0x3FB4] =	sst s7  }
0x10: {  	[smem:$0x3FB5] =	sst s8  }
0x11: {  	[smem:$0x3FB6] =	sst s9;
	s0 =	simm.s32 @!p0 $0x0  }
0x12: {  	s1 =	sld [smem:$0x3F9C];
	s0 =	simm.s32 @p0 $0x1  }
0x13: {  	[smem:$0x3FB7] =	sst s0;
	s0 =	simm.s32 @!p1 $0x0  }
0x14: {  	s2 =	sld [smem:$0x3F9B];
	s0 =	simm.s32 @p1 $0x1  }
0x15: {  	[smem:$0x3FB8] =	sst s0;
	s0 =	simm.s32 @!p2 $0x0  }
0x16: {  	s3 =	sld [smem:$0x3FDB];
	s0 =	simm.s32 @p2 $0x1  }
0x17: {  	s4 =	simm.s32 $0x1BF5;
	[smem:$0x3FBA] =	sst s0  }
0x18: {  	s0 =	sld [smem:$0x3F9D];
	_ =	swait.ge [sflag:s4], $0x0  }
0x19: {  	s7 =	sld [smem:$0x3F9E]  }
0x1a: {  	s8 =	sadd.s32 $0xFFFFE003, lr  }
0x1b: {  	s9 =	sadd.s32 $0xFFFFFEF7, lr;
	s5 =	simm.s32 $0xFFFFFFFF;
	p2 =	slt.u32 s8, $0xFFFFF086  }
0x1c: {  	p1 =	slt.u32 s9, $0xF7A;
	s5 =	simm.s32 @!p2 $0x0  }
0x1d: {  	s5 =	simm.s32 @p1 $0x1;
	p0 =	seq.s32 s7, s2  }
0x1e: {  	s7 =	smul.u32 @!p0 $0xF7A, s2;
	p2 =	seq.s32 @!p0 s5, $0x0  }
0x1f: {  	s9 =	smul.u32 $0xF7A, s1;
	s8 =	simm.s32 @!p0 $0x1BF5;
	p2 =	por !p2, p0  }
0x20: {  	[sflag:s8] =	ssyncset.s32 @!p0 $0xFFFFF086;
	s6 =	sadd.s32 @!p0 s3, s7;
	s7 =	simm.s32 @!p0 $0x108  }
0x21: {  	s3 =	sadd.s32 s3, s9;
	s6 =	sadd.s32 @!p0 $0x88, s6;
	s7 =	simm.s32 @p2 $0x1082  }
0x22: {  	[simem:s7], [sflag:s8] =	dma.local @!p0 [hbm:s6], $0xF7A  }
0x23: {  	s9 =	sor.u32 $0xD0000000, s2;
	s6 =	simm.s32 $0x108;
	_ =	swait.ge @!p0 [sflag:s8], $0x0  }
0x24: {  	s3 =	sadd.s32 $0x88, s3;
	s6 =	simm.s32 @!p1 $0x1082;
	[sflag:s4] =	ssyncset.s32 $0xFFFFF086  }
0x25: {  	[simem:s6], [sflag:s4] =	dma.local [hbm:s3], $0xF7A  }
0x26: {  	[smem:$0x3F9E] =	sst s1;
	(tag) =	ssettag s2;
	_ =	strace s9  }
0x27: {  	s1 =	sld [smem:$0x3FAE]  }
0x28: {  	s2 =	sld [smem:$0x3FAF]  }
0x29: {  	s4 =	sld [smem:$0x3FB1]  }
0x2a: {  	p0 =	seq.s32 s5, $0x0;
	s5 =	sld [smem:$0x3FB2]  }
0x2b: {  	s6 =	sld [smem:$0x3FB3]  }
0x2c: {  	s7 =	sld [smem:$0x3FB4]  }
0x2d: {  	s3 =	simm.s32 $0x108;
	s8 =	sld [smem:$0x3FB5]  }
0x2e: {  	s3 =	simm.s32 @!p0 $0x1082;
	s9 =	sld [smem:$0x3FB6]  }
0x2f: {  	lr =	sadd.s32 s0, s3;
	s0 =	sld [smem:$0x3FAD]  }
0x30: {  	s3 =	sld [smem:$0x3FB0]  }
0x31: {  	[smem:$0x3FB9] =	sst s10  }
0x32: {  	s10 =	sld [smem:$0x3FB7];
	_ =	sdelay $0x3  }
0x33: {  	p0 =	seq.s32 s10, $0x1;
	s10 =	sld [smem:$0x3FB9];
	_ =	sdelay $0x3  }
0x34: {  	[smem:$0x3FB9] =	sst s10  }
0x35: {  	s10 =	sld [smem:$0x3FB8];
	_ =	sdelay $0x3  }
0x36: {  	p1 =	seq.s32 s10, $0x1;
	s10 =	sld [smem:$0x3FB9];
	_ =	sdelay $0x3  }
0x37: {  	[smem:$0x3FB9] =	sst s10  }
0x38: {  	s10 =	sld [smem:$0x3FBA]  }
0x39: {  	_ = 	snop;
	(pc) =	sbr.ind lr, $3  }
0x3a: {  	_ = 	snop  }
0x3b: {  	_ = 	snop  }
0x3c: {  	p2 =	seq.s32 s10, $0x1;
	s10 =	sld [smem:$0x3FB9]  }
0x3d: {  	_ =	shalt  }
0x3e: {  	_ =	shalt  }
0x3f: {  	_ =	shalt  }
0x40: {  	_ =	shalt  }
0x41: {  	_ =	shalt  }
0x42: {  	_ =	shalt  }
0x43: {  	_ =	shalt  }
0x44: {  	_ =	shalt  }
0x45: {  	_ =	shalt  }
0x46: {  	_ =	shalt  }
0x47: {  	_ =	shalt  }
0x48: {  	_ =	shalt  }
0x49: {  	_ =	shalt  }
0x4a: {  	_ =	shalt  }
0x4b: {  	_ =	shalt  }
0x4c: {  	_ =	shalt  }
0x4d: {  	_ =	shalt  }
0x4e: {  	_ =	shalt  }
0x4f: {  	_ =	shalt  }
0x50: {  	_ =	shalt  }
0x51: {  	_ =	shalt  }
0x52: {  	_ =	shalt  }
0x53: {  	_ =	shalt  }
0x54: {  	_ =	shalt  }
0x55: {  	_ =	shalt  }
0x56: {  	_ =	shalt  }
0x57: {  	_ =	shalt  }
0x58: {  	_ =	shalt  }
0x59: {  	_ =	shalt  }
0x5a: {  	_ =	shalt  }
0x5b: {  	_ =	shalt  }
0x5c: {  	_ =	shalt  }
0x5d: {  	_ =	shalt  }
0x5e: {  	_ =	shalt  }
0x5f: {  	_ =	shalt  }
0x60: {  	_ =	shalt  }
0x61: {  	_ =	shalt  }
0x62: {  	_ =	shalt  }
0x63: {  	_ =	shalt  }
0x64: {  	_ =	shalt  }
0x65: {  	_ =	shalt  }
0x66: {  	_ =	shalt  }
0x67: {  	_ =	shalt  }
0x68: {  	_ =	shalt  }
0x69: {  	_ =	shalt  }
0x6a: {  	_ =	shalt  }
0x6b: {  	_ =	shalt  }
0x6c: {  	_ =	shalt  }
0x6d: {  	_ =	shalt  }
0x6e: {  	_ =	shalt  }
0x6f: {  	_ =	shalt  }
0x70: {  	_ =	shalt  }
0x71: {  	_ =	shalt  }
0x72: {  	_ =	shalt  }
0x73: {  	_ =	shalt  }
0x74: {  	_ =	shalt  }
0x75: {  	_ =	shalt  }
0x76: {  	_ =	shalt  }
0x77: {  	_ =	shalt  }
0x78: {  	_ =	shalt  }
0x79: {  	_ =	shalt  }
0x7a: {  	_ =	shalt  }
0x7b: {  	_ =	shalt  }
0x7c: {  	_ =	shalt  }
0x7d: {  	_ =	shalt  }
0x7e: {  	_ =	shalt  }
0x7f: {  	_ =	shalt  }
0x80: {  	_ =	shalt  }
0x81: {  	_ =	shalt  }
0x82: {  	_ =	shalt  }
0x83: {  	_ =	shalt  }
0x84: {  	_ =	shalt  }
0x85: {  	_ =	shalt  }
0x86: {  	_ =	shalt  }
0x87: {  	_ =	shalt  }
.Lfunc_end0:
.L_simem_size_0:
called_computation_lowered:
.L_overlay_start_0:
0x88: {  	s2 =	sld [smem:$0x3FD9]  }
0x89: {  	s3 =	sld [smem:$0x3FFE];
	_ =	sdelay $0x1  }
0x8a: {  	s1 =	srdreg.scid  }
0x8b: {  	s0 =	sand.u32 $0x1, s1  }
0x8c: {  	s18 =	sshll.u32 s0, $0xA;
	s2 =	sadd.s32 s3, s2  }
0x8d: {  	s2 =	sadd.s32 s2, s18  }
0x8e: {  	[smem:$0x3FC5] =	sst s2  }
0x8f: {  	_ = 	snop  }
0x90: {  	s2 =	sld [smem:$0x3FC9]  }
0x91: {  	s19 =	sld [smem:$0x3FC8]  }
0x92: {  	s4 =	sld [smem:$0x3FC7]  }
0x93: {  	s5 =	sld [smem:$0x3FD0];
	(tm) =	ssettm $0x1  }
0x94: {  	s6 =	sld [smem:$0x3FFB];
	_ =	sdelay $0x3  }
0x95: {  	_ =	strace s6  }
0x96: {  	s6 =	sld [smem:$0x3FFC];
	_ =	sdelay $0x3  }
0x97: {  	_ =	strace s6  }
0x98: {  	s6 =	sld [smem:$0x3FFD];
	_ =	sdelay $0x3  }
0x99: {  	_ =	strace s6  }
0x9a: {  	_ =	strace $0x8FFFFFFF  }
0x9b: {  	s20 =	sld [smem:$0x3FDB];
	_ =	sdelay $0x1  }
0x9c: {  	s7 =	simm.s32 $_scs_section_size  }
0x9d: {  	s8 =	simm.s32 $_size__tile_overlayer_lowered;
	s9 =	simm.s32 $_tile_overlayer_lowered  }
0x9e: {  	s23 =	simm.s32 $0x1BFF;
	s22 =	sshll.u32 s9, $0x1;
	s6 =	sadd.s32 s7, s20  }
0x9f: {  	s10 =	simm.s32 $0x0;
	s21 =	sshll.u32 s8, $0x1;
	s8 =	sadd.s32 s22, s6  }
0xa0: {  	[timem:s10], [sflag:s23] =	dma.local [hbm:s8], s21  }
0xa1: {  	_ =	swait.ge [sflag:s23], s21  }
0xa2: {  	s7 =	ssub.s32 $0x0, s21;
	[sflag:s23] =	ssyncset.done $0x0  }
0xa3: {  	[sflag:s23] =	ssyncadd.s32 s7;
	_ =	sdelay $0x1  }
0xa4: {  	s24 =	simm.s32 $0x1B8B  }
0xa5: {  	_ =	swait.ge [sflag:s24], $0x1  }
0xa6: {  	[sflag:s24] =	ssyncset.done $0x0  }
0xa7: {  	s25 =	simm.s32 $0x1B8E;
	[sflag:s24] =	ssyncadd.s32 $0xFFFFFFFF  }
0xa8: {  	s26 =	simm.s32 $execute0_lowered;
	[smem:$0x3FD2] =	sst s25  }
0xa9: {  	s7 =	sshll.u32 s26, $0x1;
	_ =	strace $0x80000046;
	[dreg:$0x1] =	wrdreg $0xFFFFFFFF  }
0xaa: {  	s28 =	simm.s32 $_size_execute0_lowered;
	s6 =	sadd.s32 s6, s7;
	[dreg:$0x0] =	wrdreg $0x0  }
0xab: {  	s7 =	sshll.u32 s28, $0x1;
	[dreg:$0x2] =	wrdreg s6  }
0xac: {  	[dreg:$0x3] =	wrdreg s7  }
0xad: {  	[dreg:$0x4] =	wrdreg $0xC0  }
0xae: {  	_ =	task [dreg:s10], $0x5FFFF  }
0xaf: {  	[dreg:$0x1] =	wrdreg $0xFFFFFFFF  }
0xb0: {  	[dreg:$0x0] =	wrdreg $0x60  }
0xb1: {  	[dreg:$0x2] =	wrdreg s2  }
0xb2: {  	[dreg:$0x3] =	wrdreg s19  }
0xb3: {  	[dreg:$0x4] =	wrdreg s4  }
0xb4: {  	[dreg:$0x5] =	wrdreg s5  }
0xb5: {  	[dreg:$0x6] =	wrdreg $0x9  }
0xb6: {  	_ =	task.clear_ibuf [dreg:s10], $0x7FFFF;
	_ =	strace $0x90000046  }
0xb7: {  	s29 =	simm.s32 $0x9;
	_ =	strace $0x80000048  }
0xb8: {  	_ =	swait.ge [sflag:s29], $0x1  }
0xb9: {  	[sflag:s29] =	ssyncadd.s32 $0xFFFFFFFF  }
0xba: {  	_ =	strace $0x90000048  }
0xbb: {  	_ =	sfence  }
0xbc: {  	s30 =	sld [smem:$0x0];
	_ =	sdelay $0x2  }
0xbd: {  	s31 =	sshll.u32 s1, $0xD;
	s1 =	sshrl.u32 s1, $0x2  }
0xbe: {  	s3 =	sand.u32 $0x4000, s31;
	s1 =	sadd.s32 s1, s30  }
0xbf: {  	s0 =	sor.u32 s3, s0;
	s1 =	sshll.u32 s1, $0x11  }
0xc0: {  	s0 =	sor.u32 s1, s0  }
0xc1: {  	s0 =	sadd.s32 $0x8F2B, s0  }
0xc2: {  	[sflag:s0] =	ssyncadd.remote.s32 $0x1  }
0xc3: {  	_ =	sfence.sel $0xFFFF  }
0xc4: {  	[dreg:$0x0] =	wrdreg $0xFFFFFFFF;
	(pc) =	sbr.abs _section_cstart, $3  }
0xc5: {  	[dreg:$0x1] =	wrdreg $0xFFFFFFFF  }
0xc6: {  	_ =	task.clear_ibuf [dreg:s10], $0x2FFFF;
	_ =	strace $0x9FFFFFFF  }
0xc7: {  	(tm) =	ssettm $0x7FFFFFFF  }
tec
execute0_lowered:
.L_overlay_start_1:
0x0: {  	(tag) =	ssettag $0x1  }
0x1: {  	s0 =	rddreg [dreg:$0x0]  }
0x2: {  	s1 =	rddreg [dreg:$0x1]  }
0x3: {  	s2 =	rddreg [dreg:$0x3];
	s3 =	srdreg.scid  }
0x4: {  	s4 =	simm.s32 $0x0;
	s5 =	stileid.u32;
	s3 =	sand.u32 $0x1, s3  }
0x5: {  	s5 =	sshll.u32 s5, $0xD;
	s25 =	ssub.s32 $0x2, s3;
	s3 =	sshll.u32 s3, $0xC  }
0x6: {  	[smem:$0x7FF] =	sst s4;
	s6 =	sshrl.u32 s25, $0x1;
	s3 =	sor.u32 s3, s5  }
0x7: {  	_ =	strace $0x80000047;
	s4 =	ssub.s32 s25, s6;
	s7 =	sadd.s32 s0, s3  }
0x8: {  	s5 =	sor.u32 $0x800, s3;
	s29 =	sadd.s32 s2, s3;
	[smem:$0x7F8] =	sst s7  }
0x9: {  	s26 =	sshrl.u32 s3, $0x3;
	s0 =	sadd.s32 s0, s5;
	[smem:$0x7FB] =	sst s29  }
0xa: {  	s3 =	simm.s32 $0x8000;
	s28 =	sadd.s32 s1, s26;
	[smem:$0x7F9] =	sst s0  }
0xb: {  	s6 =	simm.s32 $0x12800;
	s30 =	sadd.s32 s2, s5;
	[smem:$0x7FA] =	sst s28  }
0xc: {  	s31 =	smax.u32 s4, $0x1;
	s1 =	simm.s32 $0x4000;
	[smem:$0x7FC] =	sst s30  }
0xd: {  	s2 =	simm.s32 $0x100000;
	s5 =	simm.s32 $0x0;
	[smem:$0x7FD] =	sst s31  }
.LBB2_1:
0xe: {  	s0 =	sld [smem:$0x7F8];
	_ =	sdelay $0x1  }
0xf: {  	s7 =	simm.s32 $0x0;
	s8 =	sld [smem:$0x7F9]  }
0x10: {  	[tilespmem:s7], [sflag:$0x1] =	stream.strided.gather [hbm4b:s0+s1], $0x8000, s2, s1, $0x38;
	[tilespmem:$0x12A80] =	vst v63  }
0x11: {  	s10 =	sld [smem:$0x7FA]  }
0x12: {  	[tilespmem:s3], [sflag:$0x2] =	stream.strided.gather [hbm4b:s8+s1], $0x8000, s2, s1, $0x38;
	[tilespmem:$0x12A80] =	vst v63  }
0x13: {  	[smem:$0x7EB] =	sst s5;
	s9 =	simm.s32 $0x10000  }
0x14: {  	[tilespmem:s9], [sflag:$0x5] =	stream.linear.gather [hbm4b:s10+s7], $0x1000, $0x38;
	[tilespmem:$0x12A80] =	vst v63  }
0x15: {  	s11 =	rddreg [dreg:$0x2];
	s12 =	simm.s32 $0x11000;
	s13 =	simm.s32 $0x6  }
0x16: {  	[tilespmem:s12], [sflag:$0x6] =	stream.linear.gather [hbm4b:s11+s7], $0x1800, $0x38;
	[tilespmem:$0x12A80] =	vst v63  }
0x17: {  	_ =	swait.ge [sflag:s13], $0x1800  }
0x18: {  	[sflag:s13] =	ssyncset.done $0x0  }
0x19: {  	[sflag:s13] =	ssyncadd.s32 $0xFFFFE800  }
0x1a: {  	v0 =	vld [tilespmem:$0x11000]  }
0x1b: {  	v1 =	vld [tilespmem:$0x11080]  }
0x1c: {  	v2 =	vld [tilespmem:$0x11010]  }
0x1d: {  	v3 =	vld [tilespmem:$0x11090]  }
0x1e: {  	v4 =	vld [tilespmem:$0x11020]  }
0x1f: {  	[tilespmem:$0x12800] =	vst v0;
	v0 =	vld [tilespmem:$0x110A0]  }
0x20: {  	[tilespmem:$0x12930] =	vst v1;
	v1 =	vld [tilespmem:$0x11030]  }
0x21: {  	[tilespmem:$0x12810] =	vst v2;
	v2 =	vld [tilespmem:$0x110B0]  }
0x22: {  	[tilespmem:$0x12940] =	vst v3;
	v3 =	vld [tilespmem:$0x11040]  }
0x23: {  	[tilespmem:$0x12820] =	vst v4;
	v4 =	vld [tilespmem:$0x110C0]  }
0x24: {  	[tilespmem:$0x12950] =	vst v0;
	v0 =	vld [tilespmem:$0x11050]  }
0x25: {  	[tilespmem:$0x12830] =	vst v1;
	v1 =	vld [tilespmem:$0x110D0]  }
0x26: {  	[tilespmem:$0x12960] =	vst v2;
	v2 =	vld [tilespmem:$0x11060]  }
0x27: {  	[tilespmem:$0x12840] =	vst v3;
	v3 =	vld [tilespmem:$0x110E0]  }
0x28: {  	[tilespmem:$0x12970] =	vst v4;
	v4 =	vld [tilespmem:$0x11070]  }
0x29: {  	[tilespmem:$0x12850] =	vst v0;
	v0 =	vld [tilespmem:$0x110F0]  }
0x2a: {  	[tilespmem:$0x12980] =	vst v1;
	v1 =	vld [tilespmem:$0x11400]  }
0x2b: {  	[tilespmem:$0x12860] =	vst v2;
	v2 =	vld [tilespmem:$0x11480]  }
0x2c: {  	[tilespmem:$0x12990] =	vst v3;
	v3 =	vld [tilespmem:$0x11410]  }
0x2d: {  	[tilespmem:$0x12870] =	vst v4;
	v4 =	vld [tilespmem:$0x11490]  }
0x2e: {  	[tilespmem:$0x129A0] =	vst v0;
	v0 =	vld [tilespmem:$0x11420]  }
0x2f: {  	[tilespmem:$0x12880] =	vst v1;
	v1 =	vld [tilespmem:$0x114A0]  }
0x30: {  	[tilespmem:$0x129B0] =	vst v2;
	v2 =	vld [tilespmem:$0x11430]  }
0x31: {  	[tilespmem:$0x12890] =	vst v3;
	v3 =	vld [tilespmem:$0x114B0]  }
0x32: {  	[tilespmem:$0x129C0] =	vst v4;
	v4 =	vld [tilespmem:$0x11440]  }
0x33: {  	[tilespmem:$0x128A0] =	vst v0;
	v0 =	vld [tilespmem:$0x114C0]  }
0x34: {  	[tilespmem:$0x129D0] =	vst v1;
	v1 =	vld [tilespmem:$0x11450]  }
0x35: {  	[tilespmem:$0x128B0] =	vst v2;
	v2 =	vld [tilespmem:$0x114D0]  }
0x36: {  	[tilespmem:$0x129E0] =	vst v3;
	v3 =	vld [tilespmem:$0x11460]  }
0x37: {  	[tilespmem:$0x128C0] =	vst v4;
	v4 =	vld [tilespmem:$0x114E0]  }
0x38: {  	[tilespmem:$0x129F0] =	vst v0;
	v0 =	vld [tilespmem:$0x11470]  }
0x39: {  	[tilespmem:$0x128D0] =	vst v1;
	v1 =	vld [tilespmem:$0x114F0]  }
0x3a: {  	[tilespmem:$0x12A00] =	vst v2;
	v2 =	vld [tilespmem:$0x11800]  }
0x3b: {  	[tilespmem:$0x128E0] =	vst v3;
	v3 =	vld [tilespmem:$0x11880]  }
0x3c: {  	[tilespmem:$0x12A10] =	vst v4;
	v4 =	vld [tilespmem:$0x11810]  }
0x3d: {  	[tilespmem:$0x128F0] =	vst v0;
	v0 =	vld [tilespmem:$0x11890]  }
0x3e: {  	[tilespmem:$0x12A20] =	vst v1;
	v1 =	vld [tilespmem:$0x1181C]  }
0x3f: {  	[tilespmem:$0x12900] =	vst v2;
	v2 =	vld [tilespmem:$0x1189C]  }
0x40: {  	[tilespmem:$0x12A30] =	vst v3  }
0x41: {  	[tilespmem:$0x12910] =	vst v4  }
0x42: {  	[tilespmem:$0x12A40] =	vst v0  }
0x43: {  	[tilespmem:$0x1291C] =	vst v1  }
0x44: {  	s14 =	simm.s32 $0x5;
	[tilespmem:$0x12A4C] =	vst v2  }
0x45: {  	_ =	swait.ge [sflag:s14], $0x1000  }
0x46: {  	[sflag:s14] =	ssyncset.done $0x0  }
0x47: {  	s15 =	simm.s32 $0x1;
	[sflag:s14] =	ssyncadd.s32 $0xFFFFF000  }
0x48: {  	_ =	swait.ge [sflag:s15], $0x8000  }
0x49: {  	[sflag:s15] =	ssyncset.done $0x0  }
0x4a: {  	[sflag:s15] =	ssyncadd.s32 $0xFFFF8000  }
0x4b: {  	v0 =	vld [tilespmem:s9+$0x0]  }
0x4c: {  	s4 =	sand.u32 $0x40, s7  }
0x4d: {  	s5 =	sand.u32 $0x3C00, s7;
	s16 =	sor.u32 $0x30, s4  }
0x4e: {  	s26 =	sor.u32 s16, s5  }
0x4f: {  	v23 =	vld [tilespmem:s26+$0x0]  }
0x50: {  	v25 =	vld [tilespmem:s26+$0x80];
	v1 =	vadd.s32 $0x130, v0  }
0x51: {  	s21 =	sor.u32 $0x4000, s5;
	v29 =	vld [tilespmem:s26+$0x100]  }
0x52: {  	p0 =	por $0x0, $0x0;
	s28 =	sor.u32 $0x4100, s5;
	s31 =	sor.u32 s16, s21;
	v33 =	vld [tilespmem:s26+$0x180]  }
0x53: {  	s25 =	sor.u32 $0x4180, s5;
	s18 =	sor.u32 $0x4200, s5;
	s3 =	sor.u32 $0x4080, s5;
	v17 =	vld [tilespmem:s31+$0x0]  }
0x54: {  	s20 =	sor.u32 s16, s28;
	s22 =	sor.u32 s16, s25;
	s19 =	sor.u32 s16, s3;
	v21 =	vld.idx.msk [tilespmem:v0+s6+$0x0], $0xffff  }
0x55: {  	s23 =	sor.u32 s16, s18;
	s1 =	simm.s32 $0x1;
	v0 =	vld.idx.msk [tilespmem:v1+s6+$0x0], $0xffff;
	[smem:$0x7EC] =	sst s19  }
0x56: {  	s2 =	sor.u32 $0x4280, s5;
	s1 =	simm.s32 @!p0 $0x0;
	v15 =	vld [tilespmem:s19+$0x0];
	[smem:$0x7ED] =	sst s20  }
0x57: {  	s24 =	sor.u32 s16, s2;
	s1 =	sshll.u32 s1, $0x6;
	v13 =	vld [tilespmem:s20+$0x0];
	[smem:$0x7EF] =	sst s22  }
0x58: {  	s17 =	sadd.s32 $0x0, s1;
	s12 =	sor.u32 $0x4300, s5;
	v14 =	vld [tilespmem:s22+$0x0];
	[smem:$0x7F0] =	sst s23  }
0x59: {  	s7 =	sand.u32 $0x780, s7;
	s8 =	sor.u32 s16, s12;
	v11 =	vld [tilespmem:s23+$0x0];
	[smem:$0x7F1] =	sst s24  }
0x5a: {  	s7 =	sor.u32 $0x10000, s7;
	s19 =	sor.u32 $0x4380, s5;
	v12 =	vld [tilespmem:s24+$0x0];
	[smem:$0x7F2] =	sst s8  }
0x5b: {  	s1 =	sor.u32 $0x10, s4;
	s9 =	sor.u32 s16, s7;
	s0 =	sor.u32 s16, s19;
	v9 =	vld [tilespmem:s8+$0x0]  }
0x5c: {  	s10 =	sor.u32 s1, s7;
	v1 =	vld [tilespmem:s9+$0x0];
	[smem:$0x7F3] =	sst s0  }
0x5d: {  	v28 =	vld [tilespmem:s10+$0x0];
	_ =	sdelay $0x2  }
0x5e: {  	s20 =	sadd.s32 $0x30, s17  }
0x5f: {  	s24 =	sor.u32 $0x200, s20;
	v6 =	vld [tilespmem:s0+$0x0]  }
0x60: {  	s11 =	sor.u32 $0x20, s4;
	s29 =	sor.u32 $0x280, s20;
	v34 =	vld [tilespmem:s24+$0x0];
	[tilespmem:$0x1FFF0] =	vst v28  }
0x61: {  	s13 =	sor.u32 s11, s7;
	v35 =	vld [tilespmem:s29+$0x0]  }
0x62: {  	s14 =	sadd.s32 $0x10, s17;
	s23 =	sor.u32 $0x300, s20;
	v2 =	vadd.s32 $0x130, v1;
	v57 =	vld [tilespmem:s13+$0x0]  }
0x63: {  	s16 =	sor.u32 $0x200, s14;
	s15 =	sor.u32 $0x380, s20;
	v36 =	vld [tilespmem:s23+$0x0]  }
0x64: {  	v37 =	vld [tilespmem:s15+$0x0];
	[dreg:$0x17] =	wrdreg s16  }
0x65: {  	s30 =	simm.s32 $0x12800;
	v5 =	vld [tilespmem:s16+$0x0]  }
0x66: {  	s20 =	sor.u32 $0x280, s14;
	v22 =	vld.idx.msk [tilespmem:v1+s30+$0x0], $0xffff  }
0x67: {  	s22 =	sor.u32 $0x300, s14;
	v24 =	vld.idx.msk [tilespmem:v2+s30+$0x0], $0xffff;
	[dreg:$0x1a] =	wrdreg s20  }
0x68: {  	s8 =	sadd.s32 $0x20, s17;
	s0 =	sor.u32 $0x380, s14;
	v7 =	vld [tilespmem:s20+$0x0];
	[dreg:$0x14] =	wrdreg s22  }
0x69: {  	s9 =	sor.u32 $0x200, s8;
	v8 =	vld [tilespmem:s22+$0x0];
	[dreg:$0x15] =	wrdreg s0  }
0x6a: {  	v10 =	vld [tilespmem:s0+$0x0];
	[dreg:$0x11] =	wrdreg s9  }
0x6b: {  	s14 =	sor.u32 $0x280, s8;
	s0 =	sor.u32 $0x380, s8;
	v1 =	vld [tilespmem:s9+$0x0]  }
0x6c: {  	s6 =	sor.u32 $0x300, s8;
	v2 =	vld [tilespmem:s14+$0x0];
	[smem:$0x7F4] =	sst s0  }
0x6d: {  	s10 =	sor.u32 $0x200, s17;
	v3 =	vld [tilespmem:s6+$0x0]  }
0x6e: {  	s13 =	sor.u32 $0x280, s17;
	v4 =	vld [tilespmem:s0+$0x0];
	[dreg:$0xe] =	wrdreg s10  }
0x6f: {  	s16 =	sor.u32 $0x300, s17;
	v43 =	vld [tilespmem:s10+$0x0];
	[dreg:$0xc] =	wrdreg s13  }
0x70: {  	s20 =	sor.u32 $0x380, s17;
	v47 =	vld [tilespmem:s13+$0x0];
	[dreg:$0xd] =	wrdreg s16  }
0x71: {  	v16 =	vadd.f32 v25, v23;
	v18 =	vadd.f32 v33, v29;
	v45 =	vld [tilespmem:s16+$0x0];
	[dreg:$0xb] =	wrdreg s20  }
0x72: {  	v19 =	vadd.f32 v15, v17;
	v20 =	vadd.f32 v14, v13;
	s0 =	sor.u32 s4, s21;
	v53 =	vld [tilespmem:s20+$0x0]  }
0x73: {  	v26 =	vadd.f32 v12, v11;
	v27 =	vadd.f32 v6, v9;
	s22 =	sor.u32 s4, s3;
	s8 =	sor.u32 s4, s28;
	v49 =	vld [tilespmem:s0+$0x0]  }
0x74: {  	v32 =	vadd.f32 v35, v34;
	v38 =	vadd.f32 v37, v36;
	s10 =	sor.u32 s4, s25;
	v52 =	vld [tilespmem:s22+$0x0];
	[dreg:$0x5] =	wrdreg s8  }
0x75: {  	v18 =	vadd.f32 v18, v16;
	v19 =	vadd.f32 v20, v19;
	s13 =	sor.u32 s4, s18;
	v30 =	vld [tilespmem:s8+$0x0];
	[dreg:$0x6] =	wrdreg s10  }
0x76: {  	v26 =	vadd.f32 v27, v26;
	v32 =	vadd.f32 v38, v32;
	s16 =	sor.u32 s4, s2;
	v20 =	vld [tilespmem:s10+$0x0];
	[dreg:$0x7] =	wrdreg s13  }
0x77: {  	s17 =	sor.u32 s4, s12;
	v31 =	vld [tilespmem:s13+$0x0];
	[dreg:$0x8] =	wrdreg s16  }
0x78: {  	v26 =	vadd.f32 v26, v19;
	v27 =	vadd.f32 v32, v18;
	s20 =	sor.u32 s4, s19;
	v54 =	vld [tilespmem:s16+$0x0];
	[dreg:$0x1b] =	wrdreg s17  }
0x79: {  	v41 =	vsub.f32 v22, v24;
	v62 =	vadd.f32 v7, v5;
	v19 =	vld [tilespmem:s17+$0x0];
	[dreg:$0x9] =	wrdreg s20  }
0x7a: {  	v27 =	vadd.f32 v26, v27;
	v39 =	vadd.f32 v10, v8;
	s16 =	sor.u32 s1, s5;
	v26 =	vld [tilespmem:s20+$0x0]  }
0x7b: {  	v51 =	vsub.f32 v21, v0;
	v22 =	vld [tilespmem:s16+$0x0]  }
0x7c: {  	v21 =	vmul.f32 v25, v41;
	v50 =	vmul.f32 v27, v24;
	v16 =	vadd.f32 v39, v62;
	v24 =	vld [tilespmem:s16+$0x80]  }
0x7d: {  	v23 =	vmul.f32 v23, v41;
	v40 =	vadd.f32 v2, v1;
	v27 =	vld [tilespmem:s16+$0x100]  }
0x7e: {  	s10 =	sor.u32 s1, s21;
	v46 =	vadd.f32 v50, v21;
	v21 =	vadd.f32 v4, v3;
	v32 =	vld [tilespmem:s16+$0x180];
	[tilespmem:$0x1FFD0] =	vst v16  }
0x7f: {  	s9 =	smov.u32 s22;
	v29 =	vmul.f32 v29, v41;
	s22 =	sor.u32 s1, s28;
	s8 =	sor.u32 s1, s3;
	v44 =	vadd.f32 v50, v23;
	v23 =	vld [tilespmem:s10+$0x0]  }
0x80: {  	v33 =	vmul.f32 v33, v41;
	v16 =	vadd.f32 v21, v40;
	v25 =	vld [tilespmem:s8+$0x0];
	[smem:$0x7F7] =	sst s22  }
0x81: {  	v48 =	vadd.f32 v50, v29;
	s13 =	sor.u32 s1, s25;
	v29 =	vld [tilespmem:s22+$0x0]  }
0x82: {  	v55 =	vadd.f32 v50, v33;
	v33 =	vld [tilespmem:s13+$0x0];
	[tilespmem:$0x1FFE0] =	vst v16  }
0x83: {  	v34 =	vmul.f32 v34, v41;
	[tilespmem:s26+$0x0] =	vst v44  }
0x84: {  	v35 =	vmul.f32 v35, v41;
	[tilespmem:s26+$0x80] =	vst v46  }
0x85: {  	v36 =	vmul.f32 v36, v41;
	v56 =	vadd.f32 v50, v34;
	[tilespmem:s26+$0x100] =	vst v48  }
0x86: {  	v21 =	vmul.f32 v37, v41;
	v37 =	vadd.f32 v50, v35;
	[tilespmem:s26+$0x180] =	vst v55  }
0x87: {  	s30 =	sor.u32 s1, s18;
	v17 =	vmul.f32 v17, v41;
	v58 =	vadd.f32 v50, v36;
	[tilespmem:s24+$0x0] =	vst v56  }
0x88: {  	s20 =	sor.u32 s1, s2;
	v59 =	vadd.f32 v50, v21;
	v34 =	vld [tilespmem:s30+$0x0];
	[tilespmem:s29+$0x0] =	vst v37  }
0x89: {  	v17 =	vadd.f32 v50, v17;
	s22 =	sor.u32 s1, s12;
	v38 =	vld [tilespmem:s20+$0x0];
	[tilespmem:s23+$0x0] =	vst v58  }
0x8a: {  	s7 =	sor.u32 s1, s19;
	v42 =	vadd.f32 v47, v43;
	v63 =	vadd.f32 v53, v45;
	v39 =	vld [tilespmem:s22+$0x0];
	[tilespmem:s15+$0x0] =	vst v59  }
0x8b: {  	v15 =	vmul.f32 v15, v41;
	s17 =	sor.u32 s11, s5;
	v40 =	vld [tilespmem:s7+$0x0];
	[tilespmem:s31+$0x0] =	vst v17  }
0x8c: {  	v21 =	vadd.f32 v63, v42;
	v42 =	vld [tilespmem:s17+$0x0];
	s26 =	sor.u32 s11, s2;
	s2 =	sld [smem:$0x7EC]  }
0x8d: {  	v15 =	vadd.f32 v50, v15;
	v44 =	vld [tilespmem:s17+$0x80]  }
0x8e: {  	s3 =	sor.u32 s11, s3;
	v36 =	vadd.f32 v52, v49;
	v35 =	vadd.f32 v20, v30;
	v46 =	vld [tilespmem:s17+$0x100]  }
0x8f: {  	v13 =	vmul.f32 v13, v41;
	v11 =	vmul.f32 v11, v41;
	s1 =	sor.u32 s11, s21;
	s21 =	smov.u32 s6;
	s6 =	smov.u32 s22;
	v48 =	vld [tilespmem:s17+$0x180];
	[tilespmem:s2+$0x0] =	vst v15  }
0x90: {  	v55 =	vadd.f32 v35, v36;
	v35 =	vld [tilespmem:s1+$0x0];
	s22 =	sor.u32 s11, s28;
	s28 =	smov.u32 s14;
	s14 =	sld [smem:$0x7ED]  }
0x91: {  	v6 =	vmul.f32 v6, v41;
	v61 =	vadd.f32 v50, v11;
	v16 =	vadd.f32 v50, v13;
	v36 =	vld [tilespmem:s3+$0x0]  }
0x92: {  	v9 =	vmul.f32 v9, v41;
	v60 =	vadd.f32 v54, v31;
	v11 =	vadd.f32 v26, v19;
	s29 =	sor.u32 s11, s25;
	v37 =	vld [tilespmem:s22+$0x0]  }
0x93: {  	v14 =	vmul.f32 v14, v41;
	v12 =	vmul.f32 v12, v41;
	v63 =	vadd.f32 v50, v6;
	s23 =	sor.u32 s11, s18;
	v41 =	vld [tilespmem:s29+$0x0];
	[tilespmem:s14+$0x0] =	vst v16  }
0x94: {  	v6 =	vmul.f32 v43, v51;
	v56 =	vadd.f32 v50, v9;
	s25 =	sor.u32 s11, s12;
	s12 =	sor.u32 s11, s19;
	v9 =	vadd.f32 v11, v60;
	v43 =	vld [tilespmem:s23+$0x0];
	s19 =	sld [smem:$0x7EF]  }
0x95: {  	v18 =	vadd.f32 v50, v14;
	v11 =	vmul.f32 v45, v51;
	v45 =	vld [tilespmem:s25+$0x0]  }
0x96: {  	v62 =	vadd.f32 v50, v12;
	v50 =	vadd.f32 v9, v55;
	v9 =	vmul.f32 v47, v51;
	v47 =	vld [tilespmem:s26+$0x0];
	[smem:$0x7EE] =	sst s12  }
0x97: {  	[tilespmem:s19+$0x0] =	vst v18  }
0x98: {  	s18 =	smov.u32 s1;
	s1 =	sld [smem:$0x7F0];
	_ =	sdelay $0x2  }
0x99: {  	[tilespmem:s1+$0x0] =	vst v61  }
0x9a: {  	s1 =	sld [smem:$0x7F1]  }
0x9b: {  	v13 =	vadd.f32 v24, v22;
	v58 =	vadd.f32 v25, v23  }
0x9c: {  	v17 =	vadd.f32 v38, v34;
	v14 =	vadd.f32 v40, v39;
	v15 =	vmul.f32 v30, v51;
	v30 =	vld [tilespmem:$0x1FFD0]  }
0x9d: {  	v59 =	vadd.f32 v33, v29;
	v55 =	vadd.f32 v32, v27;
	[tilespmem:s1+$0x0] =	vst v62  }
0x9e: {  	v12 =	vmul.f32 v53, v51;
	v17 =	vadd.f32 v14, v17;
	s1 =	sld [smem:$0x7F2]  }
0x9f: {  	v60 =	vadd.s32 $0x130, v28;
	v53 =	vadd.f32 v55, v13;
	v16 =	vadd.f32 v59, v58  }
0xa0: {  	v28 =	vadd.s32 $0x130, v57  }
0xa1: {  	s31 =	sor.u32 s4, s5;
	v13 =	vmul.f32 v49, v51;
	v49 =	vld [tilespmem:s12+$0x0];
	v58 =	vadd.f32 v17, v16;
	v30 =	vadd.f32 v30, v53;
	[tilespmem:s1+$0x0] =	vst v56  }
0xa2: {  	v55 =	vadd.f32 v36, v35;
	v59 =	vld [tilespmem:s31+$0x0];
	s1 =	sld [smem:$0x7F3]  }
0xa3: {  	s12 =	simm.s32 $0x12800;
	v61 =	vld [tilespmem:s31+$0x80];
	v56 =	vadd.f32 v58, v30;
	v30 =	vadd.f32 v41, v37  }
0xa4: {  	v58 =	vld.idx.msk [tilespmem:v60+s12+$0x0], $0xffff  }
0xa5: {  	v60 =	vadd.f32 v30, v55;
	v55 =	vld.idx.msk [tilespmem:v28+s12+$0x0], $0xffff;
	[tilespmem:s1+$0x0] =	vst v63  }
0xa6: {  	v28 =	vld [tilespmem:$0x1FFF0]  }
0xa7: {  	v14 =	vmul.f32 v52, v51;
	v63 =	vld [tilespmem:$0x1FFE0]  }
0xa8: {  	v52 =	vadd.f32 v48, v46;
	v16 =	vmul.f32 v31, v51;
	v31 =	vld [tilespmem:s31+$0x180];
	v18 =	vadd.f32 v44, v42  }
0xa9: {  	v62 =	vld [tilespmem:s31+$0x100]  }
0xaa: {  	v17 =	vmul.f32 v20, v51;
	v20 =	vadd.f32 v52, v18  }
0xab: {  	s24 =	smov.u32 s3;
	s3 =	smov.u32 s13;
	s11 =	smov.u32 s10;
	v52 =	vadd.f32 v47, v43;
	v53 =	vadd.f32 v49, v45  }
0xac: {  	s15 =	smov.u32 s23;
	s23 =	simm.s32 $0x0;
	v18 =	vmul.f32 v54, v51;
	v30 =	vmul.f32 v61, v51;
	s14 =	sld [smem:$0x7F4];
	v54 =	vadd.f32 v63, v20  }
0xad: {  	s4 =	smov.u32 s30;
	s30 =	smov.u32 s25;
	s5 =	sld [smem:$0x7F7];
	v20 =	vmul.f32 v19, v51;
	v19 =	vmul.f32 v26, v51;
	v63 =	vadd.f32 v53, v52  }
0xae: {  	s25 =	simm.s32 $0x0;
	s2 =	smov.u32 s20;
	v26 =	vmul.f32 v59, v51;
	v52 =	vadd.f32 v61, v59;
	v53 =	vadd.f32 v31, v62;
	v59 =	vld.idx.msk [tilespmem:v28+s12+$0x0], $0xffff;
	[smem:$0x7F5] =	sst s23  }
0xaf: {  	s1 =	simm.s32 $0x10040;
	v31 =	vmul.f32 v31, v51;
	v28 =	vmul.f32 v62, v51;
	v51 =	vadd.f32 v63, v60;
	s23 =	simm.s32 $0x0;
	v57 =	vld.idx.msk [tilespmem:v57+s12+$0x0], $0xffff;
	[smem:$0x7F6] =	sst s25  }
.LBB2_2:
0xb0: {  	_ = 	snop  }
0xb1: {  	v52 =	vadd.f32 v53, v52;
	_ =	sdelay $0x1  }
0xb2: {  	v21 =	vadd.f32 v21, v52;
	v62 =	vsub.f32 v59, v58;
	_ =	sdelay $0x1  }
0xb3: {  	v53 =	vmul.f32 v56, v58;
	v50 =	vadd.f32 v50, v21;
	v21 =	vmul.f32 v22, v62  }
0xb4: {  	v22 =	vmul.f32 v24, v62  }
0xb5: {  	v60 =	vld [tilespmem:s1+$0x0];
	v27 =	vmul.f32 v27, v62;
	v63 =	vadd.f32 v53, v21  }
0xb6: {  	[smem:$0x7D2] =	sst s9;
	v32 =	vmul.f32 v32, v62;
	v22 =	vadd.f32 v53, v22  }
0xb7: {  	[smem:$0x7CE] =	sst s0;
	v5 =	vmul.f32 v5, v62;
	v27 =	vadd.f32 v53, v27;
	[tilespmem:s16+$0x0] =	vst v63  }
0xb8: {  	[smem:$0x7EA] =	sst s1;
	v7 =	vmul.f32 v7, v62;
	[tilespmem:s16+$0x80] =	vst v22;
	v22 =	vadd.f32 v53, v32  }
0xb9: {  	s19 =	rddreg [dreg:$0x17];
	v51 =	vadd.f32 v51, v54;
	v8 =	vmul.f32 v8, v62;
	v5 =	vadd.f32 v53, v5;
	[tilespmem:s16+$0x100] =	vst v27  }
0xba: {  	s20 =	rddreg [dreg:$0x1a];
	v24 =	vadd.s32 $0x130, v60;
	v10 =	vmul.f32 v10, v62;
	v7 =	vadd.f32 v53, v7;
	[tilespmem:s16+$0x180] =	vst v22  }
0xbb: {  	s9 =	sld [smem:$0x7F6];
	v54 =	vsub.f32 v57, v55;
	v23 =	vmul.f32 v23, v62;
	[tilespmem:s19+$0x0] =	vst v5;
	v5 =	vadd.f32 v53, v8  }
0xbc: {  	s25 =	rddreg [dreg:$0x14];
	v25 =	vmul.f32 v25, v62;
	v29 =	vmul.f32 v29, v62;
	[tilespmem:s20+$0x0] =	vst v7;
	v7 =	vadd.f32 v53, v10  }
0xbd: {  	s0 =	rddreg [dreg:$0x15];
	s23 =	sadd.s32 $0x40, s23;
	v57 =	vmul.f32 v33, v62;
	v61 =	vmul.f32 v48, v54;
	[tilespmem:s25+$0x0] =	vst v5;
	v5 =	vadd.f32 v53, v23  }
0xbe: {  	s10 =	simm.s32 $0x12800;
	v48 =	vmul.f32 v50, v0;
	v21 =	vld.idx.msk [tilespmem:v60+s12+$0x0], $0xffff;
	s12 =	sadd.s32 $0x200, s9;
	[tilespmem:s0+$0x0] =	vst v7;
	v7 =	vadd.f32 v53, v25;
	s0 =	sand.u32 $0x40, s23  }
0xbf: {  	[smem:$0x7E0] =	sst s23;
	s13 =	sand.u32 $0x3C00, s12;
	v27 =	vmul.f32 v34, v62;
	v0 =	vld.idx.msk [tilespmem:v24+s10+$0x0], $0xffff;
	[tilespmem:s11+$0x0] =	vst v5;
	v5 =	vadd.f32 v53, v29;
	s10 =	sor.u32 $0x20, s0  }
0xc0: {  	v58 =	vmul.f32 v38, v62;
	[smem:$0x7F6] =	sst s12;
	s16 =	sor.u32 s0, s13;
	[tilespmem:s8+$0x0] =	vst v7;
	v7 =	vadd.f32 v53, v57;
	s19 =	sor.u32 s10, s13  }
0xc1: {  	[tilespmem:s5+$0x0] =	vst v5;
	v5 =	vadd.f32 v53, v27;
	s5 =	sor.u32 $0x30, s0;
	[smem:$0x7D0] =	sst s19;
	s19 =	sor.u32 $0x4080, s13  }
0xc2: {  	s1 =	sor.u32 $0x4180, s13;
	v22 =	vmul.f32 v39, v62;
	[smem:$0x7CF] =	sst s16;
	[tilespmem:s3+$0x0] =	vst v7;
	v7 =	vadd.f32 v53, v58;
	s8 =	sor.u32 s5, s19  }
0xc3: {  	v59 =	vmul.f32 v40, v62;
	s3 =	sor.u32 $0x10, s0;
	s16 =	sor.u32 s5, s1;
	[tilespmem:s4+$0x0] =	vst v5;
	[smem:$0x7E2] =	sst s8  }
0xc4: {  	v51 =	vmul.f32 v51, v55;
	v8 =	vmul.f32 v42, v54;
	v5 =	vadd.f32 v53, v22;
	s11 =	sor.u32 s3, s13;
	[smem:$0x7E4] =	sst s16;
	[tilespmem:s2+$0x0] =	vst v7;
	s2 =	sor.u32 $0x4000, s13  }
0xc5: {  	v60 =	vmul.f32 v44, v54;
	v22 =	vadd.f32 v53, v59;
	[smem:$0x7D5] =	sst s11;
	s20 =	sor.u32 s0, s2  }
0xc6: {  	v10 =	vmul.f32 v46, v54;
	v23 =	vmul.f32 v35, v54;
	v7 =	vadd.f32 v51, v8;
	[tilespmem:s6+$0x0] =	vst v5;
	s25 =	sor.u32 s5, s2;
	[smem:$0x7D1] =	sst s20  }
0xc7: {  	p0 =	por !p0, !p0;
	v1 =	vmul.f32 v1, v54;
	s4 =	sor.u32 s5, s13;
	v8 =	vadd.f32 v51, v60;
	[tilespmem:s7+$0x0] =	vst v22;
	[smem:$0x7E1] =	sst s25  }
0xc8: {  	v25 =	vmul.f32 v36, v54;
	v5 =	vadd.f32 v51, v10;
	[tilespmem:s17+$0x0] =	vst v7;
	v7 =	vadd.f32 v51, v23;
	s7 =	sor.u32 s0, s19;
	s20 =	sor.u32 $0x4100, s13;
	v23 =	vld [tilespmem:s8+$0x0];
	s8 =	rddreg [dreg:$0x11]  }
0xc9: {  	v2 =	vmul.f32 v2, v54;
	v10 =	vadd.f32 v51, v61;
	[tilespmem:s17+$0x80] =	vst v8;
	v22 =	vld [tilespmem:s25+$0x0];
	s25 =	sor.u32 $0x4280, s13;
	[smem:$0x7D3] =	sst s7;
	s9 =	sor.u32 s0, s20  }
0xca: {  	v3 =	vmul.f32 v3, v54;
	v1 =	vadd.f32 v51, v1;
	v8 =	vadd.f32 v51, v25;
	v25 =	vld [tilespmem:s16+$0x0];
	s16 =	sand.u32 $0x780, s23;
	[tilespmem:s17+$0x100] =	vst v5;
	s11 =	sor.u32 s5, s20;
	[smem:$0x7D4] =	sst s9  }
0xcb: {  	v4 =	vmul.f32 v4, v54;
	v2 =	vadd.f32 v51, v2;
	[tilespmem:s17+$0x180] =	vst v10;
	s17 =	sor.u32 $0x4200, s13;
	s23 =	sor.u32 s5, s25;
	[smem:$0x7E3] =	sst s11  }
0xcc: {  	v3 =	vadd.f32 v51, v3;
	v27 =	vmul.f32 v43, v54;
	[tilespmem:s8+$0x0] =	vst v1;
	s8 =	simm.s32 $0x1;
	s9 =	sor.u32 s5, s17;
	[smem:$0x7E6] =	sst s23  }
0xcd: {  	v4 =	vadd.f32 v51, v4;
	v24 =	vld [tilespmem:s11+$0x0];
	s11 =	sor.u32 $0x4300, s13;
	s8 =	simm.s32 @!p0 $0x0;
	[smem:$0x7E5] =	sst s9;
	[tilespmem:s28+$0x0] =	vst v2  }
0xce: {  	v10 =	vadd.f32 v51, v27;
	v27 =	vld [tilespmem:s9+$0x0];
	s9 =	sor.u32 $0x10000, s16;
	s7 =	sor.u32 s5, s11;
	[tilespmem:s21+$0x0] =	vst v3;
	s8 =	sshll.u32 s8, $0x6  }
0xcf: {  	v29 =	vmul.f32 v37, v54;
	[smem:$0x7E7] =	sst s7;
	s21 =	sor.u32 $0x4380, s13;
	[tilespmem:s14+$0x0] =	vst v4;
	s12 =	sadd.s32 s8, s12  }
0xd0: {  	s16 =	sor.u32 s5, s9;
	[tilespmem:s18+$0x0] =	vst v7;
	s8 =	sadd.s32 $0x30, s12;
	s18 =	sor.u32 s5, s21  }
0xd1: {  	v63 =	vmul.f32 v47, v54;
	v47 =	vmul.f32 v49, v54;
	v5 =	vadd.f32 v51, v29;
	v29 =	vld [tilespmem:s23+$0x0];
	s5 =	sor.u32 s3, s9;
	[smem:$0x7E8] =	sst s18;
	s23 =	sor.u32 $0x200, s8  }
0xd2: {  	v62 =	vmul.f32 v41, v54;
	v46 =	vmul.f32 v45, v54;
	v54 =	vadd.f32 v48, v12;
	v12 =	vld [tilespmem:s18+$0x0];
	s18 =	sor.u32 s10, s9;
	s9 =	sor.u32 $0x280, s8;
	[smem:$0x7D9] =	sst s23  }
0xd3: {  	v7 =	vld [tilespmem:s16+$0x0];
	s16 =	sor.u32 $0x300, s8;
	[smem:$0x7DB] =	sst s9  }
0xd4: {  	s13 =	sadd.s32 $0x10, s12;
	s8 =	sor.u32 $0x380, s8;
	[smem:$0x7DD] =	sst s16  }
0xd5: {  	v50 =	vadd.f32 v51, v62;
	[tilespmem:s24+$0x0] =	vst v8;
	s24 =	sor.u32 $0x200, s13;
	[smem:$0x7DF] =	sst s8  }
0xd6: {  	v26 =	vadd.f32 v48, v26;
	v32 =	vld [tilespmem:s7+$0x0];
	s14 =	sadd.s32 $0x20, s12;
	s7 =	sor.u32 $0x280, s13;
	[tilespmem:s22+$0x0] =	vst v5;
	[dreg:$0x17] =	wrdreg s24  }
0xd7: {  	v30 =	vadd.f32 v48, v30;
	v3 =	vadd.f32 v48, v6;
	s6 =	sor.u32 $0x200, s14;
	v6 =	vld [tilespmem:s23+$0x0];
	s23 =	smov.u32 s31;
	[dreg:$0x1a] =	wrdreg s7;
	[tilespmem:s29+$0x0] =	vst v50  }
0xd8: {  	v49 =	vld [tilespmem:s4+$0x0];
	v2 =	vadd.f32 v48, v28;
	s22 =	sor.u32 $0x380, s13;
	[dreg:$0x11] =	wrdreg s6;
	[tilespmem:s23+$0x0] =	vst v26  }
0xd9: {  	v52 =	vadd.f32 v48, v31;
	v4 =	vadd.f32 v48, v11;
	v11 =	vld [tilespmem:s16+$0x0];
	s16 =	sor.u32 s0, s11;
	s29 =	sor.u32 $0x300, s13;
	s13 =	sld [smem:$0x7EE];
	[tilespmem:s23+$0x80] =	vst v30  }
0xda: {  	v35 =	vld [tilespmem:s4+$0x80];
	[smem:$0x7D6] =	sst s16;
	[tilespmem:s23+$0x100] =	vst v2  }
0xdb: {  	v33 =	vld [tilespmem:s4+$0x100];
	[tilespmem:s23+$0x180] =	vst v52;
	s23 =	sor.u32 s3, s11;
	[dreg:$0x15] =	wrdreg s22  }
0xdc: {  	v37 =	vadd.f32 v51, v63;
	v34 =	vld [tilespmem:s4+$0x180];
	s28 =	sor.u32 $0x300, s14;
	[smem:$0x7DC] =	sst s23  }
0xdd: {  	v55 =	vadd.f32 v48, v13;
	v1 =	vadd.f32 v51, v46;
	s31 =	sor.u32 $0x280, s14;
	v13 =	vld [tilespmem:s8+$0x0];
	s8 =	sor.u32 $0x300, s12;
	[tilespmem:s15+$0x0] =	vst v10;
	s23 =	rddreg [dreg:$0xe]  }
0xde: {  	v53 =	vadd.f32 v48, v9;
	v51 =	vadd.f32 v51, v47;
	v9 =	vld [tilespmem:s9+$0x0];
	s9 =	sor.u32 $0x380, s12;
	s15 =	sor.u32 $0x280, s12;
	[dreg:$0x14] =	wrdreg s29;
	[tilespmem:s26+$0x0] =	vst v37  }
0xdf: {  	s26 =	sor.u32 $0x380, s14;
	s14 =	sor.u32 $0x200, s12;
	s12 =	sor.u32 s0, s1;
	[tilespmem:s30+$0x0] =	vst v1  }
0xe0: {  	s30 =	sor.u32 s0, s25;
	[tilespmem:s13+$0x0] =	vst v51;
	s13 =	sor.u32 s0, s17;
	s0 =	sor.u32 s0, s21  }
0xe1: {  	v28 =	vld [tilespmem:s5+$0x0];
	s5 =	sor.u32 s3, s20;
	[smem:$0x7DE] =	sst s0  }
0xe2: {  	v10 =	vadd.f32 v34, v33;
	[tilespmem:s23+$0x0] =	vst v3;
	s23 =	sor.u32 s10, s19;
	v1 =	vadd.f32 v35, v49;
	v31 =	vld [tilespmem:s18+$0x0];
	s18 =	sor.u32 s3, s19;
	s0 =	sld [smem:$0x7F5]  }
0xe3: {  	v5 =	vld [tilespmem:s24+$0x0];
	s19 =	sor.u32 s10, s20;
	s20 =	sor.u32 s10, s11;
	s11 =	rddreg [dreg:$0xb]  }
0xe4: {  	s24 =	simm.s32 $0x12800;
	v63 =	vadd.f32 v10, v1;
	v10 =	vld [tilespmem:s22+$0x0];
	s22 =	sld [smem:$0x7CF]  }
0xe5: {  	v8 =	vadd.s32 $0x130, v7;
	v58 =	vld.idx.msk [tilespmem:v7+s24+$0x0], $0xffff;
	s24 =	sor.u32 s3, s17;
	[smem:$0x7DA] =	sst s18  }
0xe6: {  	v7 =	vld [tilespmem:s7+$0x0];
	s7 =	sor.u32 s10, s2;
	[smem:$0x7D7] =	sst s24  }
0xe7: {  	[smem:$0x7E9] =	sst s7  }
0xe8: {  	s16 =	sor.u32 s3, s2;
	s18 =	sor.u32 s3, s1;
	s7 =	rddreg [dreg:$0xd]  }
0xe9: {  	v1 =	vld [tilespmem:s6+$0x0];
	s6 =	sor.u32 s10, s21;
	[smem:$0x7D8] =	sst s18;
	s18 =	simm.s32 $0x12800  }
0xea: {  	s24 =	sor.u32 s3, s25;
	v61 =	vld.idx.msk [tilespmem:v8+s18+$0x0], $0xffff;
	s18 =	sor.u32 s3, s21;
	s3 =	rddreg [dreg:$0xc]  }
0xeb: {  	v8 =	vld [tilespmem:s29+$0x0];
	s29 =	sor.u32 s10, s1;
	s1 =	sor.u32 s10, s17;
	s17 =	sld [smem:$0x7CE]  }
0xec: {  	s25 =	sor.u32 s10, s25;
	s2 =	sadd.s32 $0x4, s0;
	s10 =	sld [smem:$0x7D3]  }
0xed: {  	v2 =	vadd.f32 v9, v6;
	v62 =	vadd.f32 v13, v11;
	[smem:$0x7F5] =	sst s2  }
0xee: {  	p1 =	slt.u32 s2, $0x7C;
	s2 =	sld [smem:$0x7D0]  }
0xef: {  	v2 =	vadd.f32 v62, v2;
	[tilespmem:s3+$0x0] =	vst v53;
	s3 =	sld [smem:$0x7D1]  }
0xf0: {  	s21 =	smov.u32 s28;
	[tilespmem:s7+$0x0] =	vst v4;
	s7 =	sld [smem:$0x7D2]  }
0xf1: {  	s28 =	smov.u32 s31;
	v4 =	vadd.f32 v2, v63;
	v2 =	vld [tilespmem:s31+$0x0];
	s31 =	smov.u32 s22;
	[tilespmem:s11+$0x0] =	vst v54;
	s11 =	rddreg [dreg:$0x5]  }
0xf2: {  	v56 =	vadd.f32 v48, v14;
	v14 =	vadd.f32 v48, v18;
	s22 =	smov.u32 s10;
	s10 =	smov.u32 s8;
	s8 =	rddreg [dreg:$0x7]  }
0xf3: {  	v57 =	vadd.f32 v48, v15;
	v15 =	vadd.f32 v48, v20;
	s0 =	smov.u32 s3;
	s3 =	smov.u32 s15;
	s15 =	sld [smem:$0x7D4]  }
0xf4: {  	v18 =	vadd.f32 v23, v22;
	v20 =	vadd.f32 v25, v24;
	[tilespmem:s17+$0x0] =	vst v55;
	s17 =	smov.u32 s2;
	s2 =	smov.u32 s14;
	[dreg:$0xd] =	wrdreg s10  }
0xf5: {  	v59 =	vadd.f32 v29, v27;
	v60 =	vadd.f32 v12, v32;
	[dreg:$0xe] =	wrdreg s2  }
0xf6: {  	[tilespmem:s7+$0x0] =	vst v56;
	s7 =	rddreg [dreg:$0x6]  }
0xf7: {  	v18 =	vadd.f32 v20, v18;
	v3 =	vadd.f32 v60, v59;
	s14 =	smov.u32 s26;
	[dreg:$0xc] =	wrdreg s3  }
0xf8: {  	v17 =	vadd.f32 v48, v17;
	s26 =	smov.u32 s1;
	[tilespmem:s11+$0x0] =	vst v57;
	s11 =	smov.u32 s16;
	s16 =	sld [smem:$0x7D5]  }
0xf9: {  	v18 =	vadd.f32 v3, v18;
	v3 =	vld [tilespmem:s21+$0x0];
	s1 =	smov.u32 s15;
	s15 =	smov.u32 s9;
	s9 =	rddreg [dreg:$0x8]  }
0xfa: {  	v47 =	vld [tilespmem:s2+$0x0];
	[tilespmem:s7+$0x0] =	vst v17;
	[dreg:$0xb] =	wrdreg s15  }
0xfb: {  	v16 =	vadd.f32 v48, v16;
	s2 =	smov.u32 s12;
	v17 =	vld [tilespmem:s3+$0x0];
	s3 =	smov.u32 s13;
	s13 =	rddreg [dreg:$0x1b]  }
0xfc: {  	v18 =	vadd.f32 v18, v4;
	v20 =	vsub.f32 v58, v61;
	v4 =	vld [tilespmem:s14+$0x0];
	[dreg:$0x6] =	wrdreg s2  }
0xfd: {  	v42 =	vld [tilespmem:s17+$0x0];
	s7 =	smov.u32 s18;
	[tilespmem:s8+$0x0] =	vst v16;
	s8 =	smov.u32 s30;
	[dreg:$0x7] =	wrdreg s3  }
0xfe: {  	v18 =	vmul.f32 v18, v61;
	v36 =	vmul.f32 v49, v20;
	v40 =	vld [tilespmem:s7+$0x0];
	[dreg:$0x8] =	wrdreg s8  }
0xff: {  	v51 =	vsub.f32 v21, v0;
	v21 =	vmul.f32 v35, v20;
	v24 =	vmul.f32 v24, v20;
	v16 =	vld [tilespmem:s10+$0x0];
	[tilespmem:s9+$0x0] =	vst v14;
	s10 =	smov.u32 s6;
	s6 =	sld [smem:$0x7DC]  }
0x100: {  	v33 =	vmul.f32 v33, v20;
	v36 =	vadd.f32 v18, v36;
	v14 =	vld [tilespmem:s15+$0x0];
	s15 =	sld [smem:$0x7D6]  }
0x101: {  	v34 =	vmul.f32 v34, v20;
	v21 =	vadd.f32 v18, v21;
	v46 =	vadd.f32 v18, v24;
	v24 =	vld [tilespmem:s16+$0x80];
	[tilespmem:s13+$0x0] =	vst v15;
	s13 =	sld [smem:$0x7DD]  }
0x102: {  	v19 =	vadd.f32 v48, v19;
	v57 =	vmul.f32 v6, v20;
	v33 =	vadd.f32 v18, v33;
	[tilespmem:s4+$0x0] =	vst v36;
	v62 =	vld [tilespmem:s3+$0x0];
	s3 =	sld [smem:$0x7D8]  }
0x103: {  	v45 =	vadd.f32 v7, v5;
	v9 =	vmul.f32 v9, v20;
	s9 =	smov.u32 s22;
	v58 =	vld [tilespmem:s22+$0x0];
	[tilespmem:s4+$0x80] =	vst v21;
	v21 =	vadd.f32 v18, v34;
	s22 =	sld [smem:$0x7D9]  }
0x104: {  	v54 =	vadd.f32 v10, v8;
	v11 =	vmul.f32 v11, v20;
	v60 =	vadd.f32 v18, v57;
	[tilespmem:s4+$0x100] =	vst v33;
	v61 =	vld [tilespmem:s2+$0x0];
	s2 =	smov.u32 s24;
	s24 =	sld [smem:$0x7DB]  }
0x105: {  	v13 =	vmul.f32 v13, v20;
	v48 =	vmul.f32 v32, v20;
	v32 =	vld [tilespmem:s16+$0x180];
	s18 =	smov.u32 s15;
	[tilespmem:s4+$0x180] =	vst v21;
	v21 =	vadd.f32 v18, v9;
	s15 =	sld [smem:$0x7DF]  }
0x106: {  	v37 =	vadd.f32 v54, v45;
	v22 =	vmul.f32 v22, v20;
	v11 =	vadd.f32 v18, v11;
	v15 =	vld [tilespmem:s0+$0x0];
	[tilespmem:s22+$0x0] =	vst v60;
	[dreg:$0x1b] =	wrdreg s18  }
0x107: {  	v13 =	vadd.f32 v18, v13;
	v38 =	vadd.f32 v17, v47;
	v45 =	vld [tilespmem:s18+$0x0];
	s18 =	sld [smem:$0x7E1];
	[tilespmem:s24+$0x0] =	vst v21  }
0x108: {  	v59 =	vld [tilespmem:s1+$0x0];
	s4 =	sld [smem:$0x7D7];
	v9 =	vmul.f32 v17, v51;
	v17 =	vmul.f32 v23, v20;
	[tilespmem:s13+$0x0] =	vst v11;
	v11 =	vadd.f32 v18, v22  }
0x109: {  	v41 =	vld [tilespmem:s8+$0x0];
	[tilespmem:s15+$0x0] =	vst v13;
	s15 =	sld [smem:$0x7E2]  }
0x10a: {  	v6 =	vmul.f32 v47, v51;
	v39 =	vld [tilespmem:s6+$0x0];
	v63 =	vadd.f32 v14, v16;
	v13 =	vadd.f32 v18, v17;
	[tilespmem:s18+$0x0] =	vst v11;
	s18 =	sld [smem:$0x7E3]  }
0x10b: {  	v47 =	vmul.f32 v27, v20;
	v27 =	vld [tilespmem:s16+$0x100];
	s13 =	sld [smem:$0x7DE];
	v17 =	vmul.f32 v25, v20  }
0x10c: {  	v23 =	vadd.f32 v58, v15;
	v22 =	vld [tilespmem:s16+$0x0];
	v21 =	vadd.f32 v63, v38;
	[tilespmem:s15+$0x0] =	vst v13;
	s15 =	sld [smem:$0x7E4]  }
0x10d: {  	v34 =	vld [tilespmem:s4+$0x0];
	v25 =	vadd.f32 v61, v59;
	v13 =	vadd.f32 v18, v17;
	[tilespmem:s18+$0x0] =	vst v46;
	s18 =	sld [smem:$0x7E5]  }
0x10e: {  	s8 =	sld [smem:$0x7DA];
	v38 =	vld [tilespmem:s2+$0x0];
	v11 =	vmul.f32 v16, v51;
	v16 =	vmul.f32 v29, v20;
	v29 =	vadd.f32 v18, v47  }
0x10f: {  	v55 =	vadd.f32 v2, v1;
	v43 =	vld [tilespmem:s13+$0x0];
	[tilespmem:s15+$0x0] =	vst v13;
	s15 =	sld [smem:$0x7E6]  }
0x110: {  	v49 =	vadd.f32 v25, v23;
	v23 =	vld [tilespmem:s11+$0x0];
	v16 =	vadd.f32 v18, v16;
	[tilespmem:s18+$0x0] =	vst v29;
	s18 =	sld [smem:$0x7E7]  }
0x111: {  	v56 =	vadd.f32 v4, v3;
	v33 =	vadd.f32 v18, v48;
	v25 =	vld [tilespmem:s8+$0x0]  }
0x112: {  	v29 =	vld [tilespmem:s5+$0x0];
	[tilespmem:s15+$0x0] =	vst v16  }
0x113: {  	v52 =	vadd.f32 v56, v55;
	v20 =	vmul.f32 v12, v20;
	v54 =	vadd.f32 v32, v27;
	[tilespmem:s18+$0x0] =	vst v33;
	v33 =	vld [tilespmem:s3+$0x0]  }
0x114: {  	v44 =	vld [tilespmem:s17+$0x80];
	v17 =	vadd.f32 v41, v62;
	v53 =	vadd.f32 v24, v22  }
0x115: {  	v48 =	vld [tilespmem:s17+$0x180];
	s24 =	smov.u32 s23;
	v18 =	vadd.f32 v18, v20;
	v50 =	vadd.f32 v43, v45  }
0x116: {  	v36 =	vld [tilespmem:s24+$0x0];
	v57 =	vadd.f32 v38, v34;
	v13 =	vmul.f32 v15, v51;
	v35 =	vadd.f32 v54, v53  }
0x117: {  	v46 =	vld [tilespmem:s17+$0x100];
	v15 =	vmul.f32 v59, v51;
	v59 =	vadd.f32 v40, v39;
	v20 =	vadd.f32 v50, v17;
	s15 =	sld [smem:$0x7E8]  }
0x118: {  	v12 =	vmul.f32 v14, v51;
	v47 =	vld [tilespmem:s25+$0x0];
	v55 =	vadd.f32 v25, v23;
	s18 =	rddreg [dreg:$0x9];
	v56 =	vadd.f32 v33, v29  }
0x119: {  	v14 =	vmul.f32 v58, v51;
	v50 =	vadd.f32 v20, v49;
	[tilespmem:s18+$0x0] =	vst v19;
	s18 =	sld [smem:$0x7E9];
	v49 =	vadd.f32 v37, v35;
	v37 =	vld [tilespmem:s19+$0x0]  }
0x11a: {  	v60 =	vadd.f32 v59, v57;
	v19 =	vmul.f32 v43, v51;
	v43 =	vld [tilespmem:s26+$0x0];
	v58 =	vadd.f32 v56, v55  }
0x11b: {  	v17 =	vmul.f32 v61, v51;
	v61 =	vadd.f32 v44, v42;
	[tilespmem:s15+$0x0] =	vst v18;
	v18 =	vmul.f32 v41, v51;
	v41 =	vld [tilespmem:s29+$0x0]  }
0x11c: {  	v16 =	vmul.f32 v62, v51;
	v63 =	vadd.f32 v48, v46;
	v35 =	vld [tilespmem:s18+$0x0];
	v62 =	vadd.f32 v60, v58  }
0x11d: {  	v20 =	vmul.f32 v45, v51;
	v45 =	vld [tilespmem:s20+$0x0]  }
0x11e: {  	v53 =	vadd.f32 v63, v61;
	v56 =	vadd.f32 v62, v49;
	v49 =	vld [tilespmem:s10+$0x0]  }
0x11f: {  	v30 =	vadd.s32 $0x130, v31;
	v59 =	vld [tilespmem:s31+$0x0]  }
0x120: {  	v26 =	vadd.s32 $0x130, v28;
	v54 =	vadd.f32 v52, v53;
	v53 =	vld [tilespmem:s31+$0x80]  }
0x121: {  	v57 =	vadd.f32 v36, v35;
	v58 =	vadd.f32 v41, v37;
	v60 =	vld [tilespmem:s31+$0x100]  }
0x122: {  	[dreg:$0x5] =	wrdreg s1;
	v63 =	vld [tilespmem:s31+$0x180];
	v61 =	vadd.f32 v47, v43  }
.Ltmp0:
0x123: {  	s12 =	simm.s32 $0x12800;
	[smem:$0x7EE] =	sst s10;
	v62 =	vadd.f32 v58, v57;
	v57 =	vadd.f32 v49, v45;
	(pc) =	sbr.rel @p1 .LBB2_2-.Ltmp0, $4  }
0x124: {  	s15 =	smov.u32 s13;
	s13 =	sld [smem:$0x7EA];
	v55 =	vld.idx.msk [tilespmem:v30+s12+$0x0], $0xffff  }
0x125: {  	s23 =	sld [smem:$0x7E0];
	v30 =	vmul.f32 v53, v51;
	v58 =	vld.idx.msk [tilespmem:v26+s12+$0x0], $0xffff;
	v61 =	vadd.f32 v57, v61  }
0x126: {  	s30 =	smov.u32 s20;
	s22 =	smov.u32 s19;
	[dreg:$0x9] =	wrdreg s15;
	v52 =	vadd.f32 v53, v59;
	v26 =	vmul.f32 v59, v51;
	v59 =	vld.idx.msk [tilespmem:v28+s12+$0x0], $0xffff;
	v28 =	vmul.f32 v60, v51  }
0x127: {  	s15 =	smov.u32 s26;
	s26 =	smov.u32 s25;
	s1 =	sadd.s32 $0x40, s13;
	v53 =	vadd.f32 v63, v60;
	v57 =	vld.idx.msk [tilespmem:v31+s12+$0x0], $0xffff;
	v31 =	vmul.f32 v63, v51;
	v51 =	vadd.f32 v61, v62  }
0x128: {  	_ =	sdelay $0x2  }
0x129: {  	v59 =	vsub.f32 v59, v58;
	_ =	sdelay $0x1  }
0x12a: {  	v56 =	vmul.f32 v56, v58;
	v22 =	vmul.f32 v22, v59  }
0x12b: {  	v24 =	vmul.f32 v24, v59  }
0x12c: {  	v27 =	vmul.f32 v27, v59;
	v22 =	vadd.f32 v56, v22  }
0x12d: {  	v32 =	vmul.f32 v32, v59;
	v24 =	vadd.f32 v56, v24  }
0x12e: {  	[tilespmem:s16+$0x0] =	vst v22;
	v22 =	vadd.f32 v56, v27  }
0x12f: {  	v5 =	vmul.f32 v5, v59;
	[tilespmem:s16+$0x80] =	vst v24;
	v24 =	vadd.f32 v56, v32  }
0x130: {  	[tilespmem:s16+$0x100] =	vst v22  }
0x131: {  	v7 =	vmul.f32 v7, v59;
	v5 =	vadd.f32 v56, v5;
	[tilespmem:s16+$0x180] =	vst v24  }
0x132: {  	s1 =	rddreg [dreg:$0x17]  }
0x133: {  	v8 =	vmul.f32 v8, v59;
	v7 =	vadd.f32 v56, v7;
	[tilespmem:s1+$0x0] =	vst v5  }
0x134: {  	s1 =	rddreg [dreg:$0x1a]  }
0x135: {  	v10 =	vmul.f32 v10, v59;
	v8 =	vadd.f32 v56, v8;
	[tilespmem:s1+$0x0] =	vst v7  }
0x136: {  	v5 =	vmul.f32 v23, v59;
	s1 =	rddreg [dreg:$0x14]  }
0x137: {  	v10 =	vadd.f32 v56, v10;
	v7 =	vmul.f32 v25, v59;
	[tilespmem:s1+$0x0] =	vst v8  }
0x138: {  	v5 =	vadd.f32 v56, v5;
	v8 =	vmul.f32 v29, v59;
	s1 =	rddreg [dreg:$0x15]  }
0x139: {  	v7 =	vadd.f32 v56, v7;
	[tilespmem:s1+$0x0] =	vst v10;
	v10 =	vmul.f32 v33, v59  }
0x13a: {  	v8 =	vadd.f32 v56, v8;
	[tilespmem:s11+$0x0] =	vst v5;
	v5 =	vmul.f32 v34, v59  }
0x13b: {  	v22 =	vmul.f32 v38, v59;
	[tilespmem:s8+$0x0] =	vst v7;
	v7 =	vadd.f32 v51, v54;
	v10 =	vadd.f32 v56, v10  }
0x13c: {  	v23 =	vmul.f32 v39, v59;
	[tilespmem:s5+$0x0] =	vst v8;
	v8 =	vsub.f32 v57, v55;
	v5 =	vadd.f32 v56, v5  }
0x13d: {  	v22 =	vadd.f32 v56, v22;
	[tilespmem:s3+$0x0] =	vst v10;
	v10 =	vmul.f32 v40, v59  }
0x13e: {  	v23 =	vadd.f32 v56, v23;
	[tilespmem:s4+$0x0] =	vst v5;
	v5 =	vmul.f32 v7, v55;
	v7 =	vmul.f32 v42, v8  }
0x13f: {  	[tilespmem:s2+$0x0] =	vst v22;
	v22 =	vmul.f32 v44, v8;
	v10 =	vadd.f32 v56, v10  }
0x140: {  	[tilespmem:s6+$0x0] =	vst v23;
	v23 =	vmul.f32 v46, v8;
	v7 =	vadd.f32 v5, v7  }
0x141: {  	[tilespmem:s7+$0x0] =	vst v10;
	v10 =	vmul.f32 v48, v8;
	v22 =	vadd.f32 v5, v22  }
0x142: {  	v23 =	vadd.f32 v5, v23;
	[tilespmem:s17+$0x0] =	vst v7  }
0x143: {  	v1 =	vmul.f32 v1, v8;
	v7 =	vadd.f32 v5, v10;
	[tilespmem:s17+$0x80] =	vst v22  }
0x144: {  	v2 =	vmul.f32 v2, v8;
	[tilespmem:s17+$0x100] =	vst v23  }
0x145: {  	v3 =	vmul.f32 v3, v8;
	v1 =	vadd.f32 v5, v1;
	[tilespmem:s17+$0x180] =	vst v7  }
0x146: {  	v4 =	vmul.f32 v4, v8;
	v2 =	vadd.f32 v5, v2;
	s1 =	rddreg [dreg:$0x11]  }
0x147: {  	v3 =	vadd.f32 v5, v3;
	v7 =	vmul.f32 v35, v8;
	[tilespmem:s1+$0x0] =	vst v1  }
0x148: {  	v4 =	vadd.f32 v5, v4;
	v1 =	vmul.f32 v36, v8;
	[tilespmem:s28+$0x0] =	vst v2  }
0x149: {  	v10 =	vmul.f32 v37, v8;
	v7 =	vadd.f32 v5, v7;
	v2 =	vadd.f32 v53, v52;
	[tilespmem:s21+$0x0] =	vst v3  }
0x14a: {  	v3 =	vmul.f32 v41, v8;
	v1 =	vadd.f32 v5, v1;
	[tilespmem:s14+$0x0] =	vst v4  }
0x14b: {  	v10 =	vadd.f32 v5, v10;
	v2 =	vadd.f32 v21, v2;
	v4 =	vmul.f32 v43, v8;
	[tilespmem:s18+$0x0] =	vst v7  }
0x14c: {  	v7 =	vmul.f32 v47, v8;
	v3 =	vadd.f32 v5, v3;
	[tilespmem:s24+$0x0] =	vst v1  }
0x14d: {  	v1 =	vadd.f32 v50, v2;
	v2 =	vmul.f32 v45, v8;
	v4 =	vadd.f32 v5, v4;
	[tilespmem:s22+$0x0] =	vst v10  }
0x14e: {  	v7 =	vadd.f32 v5, v7;
	[tilespmem:s29+$0x0] =	vst v3  }
0x14f: {  	v0 =	vmul.f32 v1, v0;
	v1 =	vadd.f32 v5, v2;
	[tilespmem:s15+$0x0] =	vst v4  }
0x150: {  	[tilespmem:s26+$0x0] =	vst v7  }
0x151: {  	v8 =	vmul.f32 v49, v8;
	v3 =	vadd.f32 v0, v26;
	[tilespmem:s30+$0x0] =	vst v1  }
0x152: {  	v1 =	vadd.f32 v0, v30;
	s1 =	sld [smem:$0x7EE]  }
0x153: {  	v2 =	vadd.f32 v5, v8;
	[tilespmem:s31+$0x0] =	vst v3  }
0x154: {  	v3 =	vadd.f32 v0, v31;
	[tilespmem:s31+$0x80] =	vst v1  }
0x155: {  	[tilespmem:s1+$0x0] =	vst v2;
	v2 =	vadd.f32 v0, v28  }
0x156: {  	[tilespmem:s31+$0x180] =	vst v3  }
0x157: {  	v1 =	vadd.f32 v0, v6;
	[tilespmem:s31+$0x100] =	vst v2  }
0x158: {  	s1 =	rddreg [dreg:$0xe]  }
0x159: {  	v2 =	vadd.f32 v0, v9;
	[tilespmem:s1+$0x0] =	vst v1  }
0x15a: {  	s1 =	rddreg [dreg:$0xc]  }
0x15b: {  	v3 =	vadd.f32 v0, v11;
	[tilespmem:s1+$0x0] =	vst v2  }
0x15c: {  	s1 =	rddreg [dreg:$0xd]  }
0x15d: {  	v1 =	vadd.f32 v0, v12;
	[tilespmem:s1+$0x0] =	vst v3  }
0x15e: {  	v2 =	vadd.f32 v0, v13;
	s1 =	rddreg [dreg:$0xb]  }
0x15f: {  	v3 =	vadd.f32 v0, v14;
	[tilespmem:s1+$0x0] =	vst v1  }
0x160: {  	[tilespmem:s0+$0x0] =	vst v2  }
0x161: {  	v1 =	vadd.f32 v0, v15;
	[tilespmem:s9+$0x0] =	vst v3  }
0x162: {  	s0 =	rddreg [dreg:$0x5]  }
0x163: {  	v2 =	vadd.f32 v0, v17;
	[tilespmem:s0+$0x0] =	vst v1  }
0x164: {  	s0 =	rddreg [dreg:$0x6]  }
0x165: {  	v3 =	vadd.f32 v0, v16;
	[tilespmem:s0+$0x0] =	vst v2  }
0x166: {  	s0 =	rddreg [dreg:$0x7]  }
0x167: {  	v1 =	vadd.f32 v0, v18;
	[tilespmem:s0+$0x0] =	vst v3  }
0x168: {  	s0 =	rddreg [dreg:$0x8]  }
0x169: {  	v2 =	vadd.f32 v0, v20;
	[tilespmem:s0+$0x0] =	vst v1  }
0x16a: {  	s0 =	rddreg [dreg:$0x1b]  }
0x16b: {  	v0 =	vadd.f32 v0, v19;
	[tilespmem:s0+$0x0] =	vst v2  }
0x16c: {  	s0 =	rddreg [dreg:$0x9]  }
0x16d: {  	[tilespmem:s0+$0x0] =	vst v0  }
0x16e: {  	s0 =	sld [smem:$0x7FB]  }
0x16f: {  	s19 =	simm.s32 $0x2  }
0x170: {  	s17 =	simm.s32 $0x4000;
	s18 =	simm.s32 $0x100000;
	s30 =	simm.s32 $0x0  }
0x171: {  	[hbm4b:s0+s17] =	stream.strided.scatter [tilespmem:s30], [sflag:$0x3], $0x8000, s18, s17, $0x38;
	[tilespmem:$0x12A80] =	vst v63  }
0x172: {  	_ =	swait.ge [sflag:s19], $0x8000  }
0x173: {  	[sflag:s19] =	ssyncset.done $0x0  }
0x174: {  	s20 =	simm.s32 $0x10830;
	[sflag:s19] =	ssyncadd.s32 $0xFFFF8000  }
0x175: {  	v0 =	vld [tilespmem:s20+$0xFFFFFFE0]  }
0x176: {  	s21 =	sand.u32 $0x3C00, s30;
	v1 =	vld [tilespmem:s20+$0xFFFFFFF0]  }
0x177: {  	s6 =	sand.u32 $0x40, s30;
	s16 =	sor.u32 $0x8000, s21;
	v2 =	vld [tilespmem:s20+$0x0]  }
0x178: {  	s11 =	sor.u32 s6, s16  }
0x179: {  	v22 =	vld [tilespmem:s11+$0x80]  }
0x17a: {  	s19 =	sor.u32 $0xC000, s21;
	v23 =	vld [tilespmem:s11+$0x100]  }
0x17b: {  	v24 =	vld [tilespmem:s11+$0x180];
	s29 =	sor.u32 s6, s19  }
0x17c: {  	v25 =	vld [tilespmem:s29+$0x0];
	v3 =	vadd.s32 $0x130, v0  }
0x17d: {  	v4 =	vadd.s32 $0x130, v1;
	v5 =	vld.idx.msk [tilespmem:v0+s12+$0x0], $0xffff  }
0x17e: {  	v6 =	vld.idx.msk [tilespmem:v1+s12+$0x0], $0xffff  }
0x17f: {  	s22 =	sand.u32 $0x7C0, s30;
	v0 =	vadd.s32 $0x130, v2;
	v9 =	vld.idx.msk [tilespmem:v2+s12+$0x0], $0xffff  }
0x180: {  	v2 =	vld [tilespmem:s22+$0x10800]  }
0x181: {  	v10 =	vld.idx.msk [tilespmem:v3+s12+$0x0], $0xffff  }
0x182: {  	p0 =	por $0x0, $0x0;
	s2 =	sor.u32 $0xC100, s21;
	s18 =	sor.u32 $0xC080, s21;
	v1 =	vld.idx.msk [tilespmem:v4+s12+$0x0], $0xffff  }
0x183: {  	s5 =	sor.u32 $0xC180, s21;
	s4 =	sor.u32 $0xC280, s21;
	s23 =	sor.u32 s6, s18;
	v3 =	vld [tilespmem:s11+$0x0]  }
0x184: {  	s24 =	sor.u32 s6, s2;
	s25 =	sor.u32 s6, s5;
	v0 =	vld.idx.msk [tilespmem:v0+s12+$0x0], $0xffff;
	[smem:$0x7C4] =	sst s23  }
0x185: {  	s7 =	sor.u32 s6, s4;
	s9 =	sor.u32 $0xC200, s21;
	v11 =	vld [tilespmem:s23+$0x0];
	[smem:$0x7C5] =	sst s24  }
0x186: {  	s1 =	simm.s32 $0x1;
	s26 =	sor.u32 s6, s9;
	v21 =	vld [tilespmem:s24+$0x0];
	[smem:$0x7C6] =	sst s25  }
0x187: {  	s1 =	simm.s32 @!p0 $0x0;
	s24 =	sor.u32 $0xC300, s21;
	v17 =	vld [tilespmem:s25+$0x0];
	[smem:$0x7C7] =	sst s26  }
0x188: {  	s8 =	sor.u32 s6, s24;
	s25 =	sor.u32 $0xC380, s21;
	v20 =	vld [tilespmem:s26+$0x0];
	[smem:$0x7C8] =	sst s7  }
0x189: {  	s1 =	sshll.u32 s1, $0x6;
	s10 =	sor.u32 s6, s25;
	v15 =	vld [tilespmem:s7+$0x0];
	[smem:$0x7C9] =	sst s8  }
0x18a: {  	s0 =	sadd.s32 $0x0, s1;
	v16 =	vld [tilespmem:s8+$0x0];
	[smem:$0x7CA] =	sst s10  }
0x18b: {  	s21 =	sor.u32 $0x200, s0;
	v14 =	vld [tilespmem:s10+$0x0]  }
0x18c: {  	s15 =	sor.u32 $0x300, s0;
	v26 =	vld [tilespmem:s21+$0x8000]  }
0x18d: {  	s13 =	sadd.s32 $0x10, s0;
	s26 =	sor.u32 $0x380, s0;
	v28 =	vld [tilespmem:s15+$0x8000]  }
0x18e: {  	s14 =	sor.u32 $0x200, s13;
	s10 =	sor.u32 $0x280, s0;
	v29 =	vld [tilespmem:s26+$0x8000]  }
0x18f: {  	s17 =	sor.u32 $0x280, s13;
	v4 =	vadd.s32 $0x130, v2;
	v27 =	vld [tilespmem:s10+$0x8000];
	[dreg:$0x1e] =	wrdreg s14  }
0x190: {  	s20 =	sor.u32 $0x300, s13;
	v7 =	vld [tilespmem:s14+$0x8000];
	[dreg:$0x1d] =	wrdreg s17  }
0x191: {  	v8 =	vld [tilespmem:s17+$0x8000];
	[dreg:$0x1c] =	wrdreg s20  }
0x192: {  	v13 =	vadd.f32 v24, v23;
	v30 =	vld [tilespmem:s20+$0x8000]  }
0x193: {  	s22 =	sor.u32 $0x380, s13;
	s23 =	sadd.s32 $0x20, s0;
	v12 =	vsub.f32 v5, v10;
	v5 =	vadd.f32 v22, v3;
	v2 =	vld.idx.msk [tilespmem:v2+s12+$0x0], $0xffff  }
0x194: {  	s7 =	sor.u32 $0x200, s23;
	v18 =	vadd.f32 v11, v25;
	v19 =	vadd.f32 v17, v21;
	v51 =	vld.idx.msk [tilespmem:v4+s12+$0x0], $0xffff;
	[dreg:$0x1f] =	wrdreg s22  }
0x195: {  	s8 =	sor.u32 $0x280, s23;
	v31 =	vadd.f32 v15, v20;
	v50 =	vadd.f32 v14, v16;
	v53 =	vld [tilespmem:s22+$0x8000];
	[dreg:$0x12] =	wrdreg s7  }
0x196: {  	v5 =	vadd.f32 v13, v5;
	s12 =	sor.u32 $0x300, s23;
	v54 =	vld [tilespmem:s7+$0x8000];
	[dreg:$0x13] =	wrdreg s8  }
0x197: {  	s1 =	sor.u32 $0x380, s23;
	v13 =	vadd.f32 v19, v18;
	v19 =	vadd.f32 v50, v31;
	v31 =	vld [tilespmem:s8+$0x8000];
	[dreg:$0x18] =	wrdreg s12  }
0x198: {  	s0 =	sadd.s32 $0x30, s0;
	v52 =	vadd.f32 v29, v28;
	v4 =	vadd.f32 v27, v26;
	[dreg:$0x16] =	wrdreg s1  }
0x199: {  	s13 =	sor.u32 $0x200, s0;
	v55 =	vld [tilespmem:s12+$0x8000]  }
0x19a: {  	s14 =	sor.u32 $0x280, s0;
	v18 =	vadd.f32 v52, v4;
	v56 =	vadd.f32 v19, v13;
	v13 =	vld [tilespmem:s1+$0x8000];
	[dreg:$0xf] =	wrdreg s13  }
0x19b: {  	v4 =	vmul.f32 v7, v12;
	v57 =	vadd.f32 v8, v7;
	v19 =	vld [tilespmem:s13+$0x8000];
	[dreg:$0x10] =	wrdreg s14  }
0x19c: {  	s31 =	sor.u32 $0x300, s0;
	s17 =	sor.u32 $0x380, s0;
	v7 =	vmul.f32 v30, v12;
	v40 =	vsub.f32 v2, v51;
	v34 =	vadd.f32 v18, v5;
	v35 =	vld [tilespmem:s14+$0x8000]  }
0x19d: {  	s20 =	sor.u32 $0x10, s6;
	v5 =	vmul.f32 v8, v12;
	v18 =	vsub.f32 v6, v1;
	v8 =	vmul.f32 v53, v12;
	v39 =	vld [tilespmem:s31+$0x8000];
	[smem:$0x7C3] =	sst s17  }
0x19e: {  	s7 =	sor.u32 s20, s16;
	v22 =	vmul.f32 v22, v40;
	v23 =	vmul.f32 v23, v40;
	v6 =	vadd.f32 v56, v34;
	v37 =	vld [tilespmem:s17+$0x8000]  }
0x19f: {  	v24 =	vmul.f32 v24, v40;
	v26 =	vmul.f32 v26, v40;
	v60 =	vld [tilespmem:s7+$0x80]  }
0x1a0: {  	v30 =	vadd.f32 v53, v30;
	v28 =	vmul.f32 v28, v40;
	v61 =	vld [tilespmem:s7+$0x100];
	v33 =	vmul.f32 v6, v51  }
0x1a1: {  	v58 =	vadd.f32 v31, v54;
	v6 =	vmul.f32 v3, v40;
	v3 =	vmul.f32 v31, v18;
	v31 =	vld [tilespmem:s7+$0x0]  }
0x1a2: {  	s22 =	sor.u32 s20, s18;
	v25 =	vmul.f32 v25, v40;
	v21 =	vmul.f32 v21, v40;
	v30 =	vadd.f32 v30, v57;
	v43 =	vld [tilespmem:s7+$0x180]  }
0x1a3: {  	s12 =	sor.u32 s20, s2;
	v45 =	vld [tilespmem:s22+$0x0];
	v59 =	vadd.f32 v13, v55;
	v44 =	vadd.f32 v33, v24;
	v24 =	vmul.f32 v27, v40  }
0x1a4: {  	s23 =	sor.u32 s20, s5;
	v17 =	vmul.f32 v17, v40;
	s17 =	sor.u32 s20, s19;
	v47 =	vld [tilespmem:s12+$0x0];
	v36 =	vadd.f32 v33, v6;
	v22 =	vadd.f32 v33, v22  }
0x1a5: {  	s3 =	sor.u32 s20, s9;
	v20 =	vmul.f32 v20, v40;
	v34 =	vld [tilespmem:s17+$0x0];
	[smem:$0x7CB] =	sst s23;
	v48 =	vadd.f32 v33, v28;
	v46 =	vadd.f32 v33, v24  }
0x1a6: {  	v24 =	vmul.f32 v29, v40;
	v29 =	vmul.f32 v31, v12;
	v28 =	vadd.f32 v60, v31;
	v31 =	vld [tilespmem:s23+$0x0];
	[smem:$0x7CC] =	sst s3  }
0x1a7: {  	s28 =	sor.u32 s20, s24;
	v15 =	vmul.f32 v15, v40;
	v23 =	vadd.f32 v33, v23;
	v62 =	vadd.f32 v35, v19;
	v38 =	vld [tilespmem:s3+$0x0]  }
0x1a8: {  	s1 =	sor.u32 $0x20, s6;
	v16 =	vmul.f32 v16, v40;
	v27 =	vadd.f32 v59, v58;
	v26 =	vadd.f32 v33, v26;
	s23 =	sor.u32 s20, s25;
	v52 =	vld [tilespmem:s28+$0x0]  }
0x1a9: {  	s13 =	sor.u32 s1, s16;
	v2 =	vmul.f32 v54, v18;
	v50 =	vadd.f32 v33, v25;
	v53 =	vadd.f32 v33, v21;
	v54 =	vld [tilespmem:s23+$0x0]  }
0x1aa: {  	v6 =	vmul.f32 v55, v18;
	v17 =	vadd.f32 v33, v17;
	v56 =	vadd.f32 v33, v20;
	v55 =	vld [tilespmem:s13+$0x0]  }
0x1ab: {  	v14 =	vmul.f32 v14, v40;
	v58 =	vadd.f32 v33, v15;
	v59 =	vadd.f32 v33, v16;
	v57 =	vld [tilespmem:s13+$0x80]  }
0x1ac: {  	v25 =	vadd.f32 v43, v61;
	v49 =	vadd.f32 v33, v24;
	v24 =	vmul.f32 v11, v40;
	v40 =	vld [tilespmem:s13+$0x100]  }
0x1ad: {  	v63 =	vadd.f32 v37, v39;
	v41 =	vmul.f32 v60, v12;
	v60 =	vmul.f32 v61, v12;
	s3 =	sor.u32 s20, s4;
	v61 =	vld [tilespmem:s13+$0x180];
	[tilespmem:s11+$0x0] =	vst v36  }
0x1ae: {  	s8 =	sor.u32 s1, s19;
	[tilespmem:s11+$0x80] =	vst v22;
	v42 =	vld [tilespmem:s3+$0x0];
	v51 =	vadd.f32 v33, v24;
	v24 =	vadd.f32 v25, v28  }
0x1af: {  	s14 =	sor.u32 s1, s2;
	v11 =	vadd.f32 v63, v62;
	v62 =	vadd.f32 v33, v14;
	s20 =	smov.u32 s8;
	[tilespmem:s11+$0x100] =	vst v23;
	v33 =	vld [tilespmem:s8+$0x0];
	s8 =	sor.u32 s1, s18  }
0x1b0: {  	v21 =	vadd.f32 v45, v34;
	v15 =	vadd.f32 v30, v24;
	v30 =	vmul.f32 v34, v12;
	v34 =	vld [tilespmem:s8+$0x0];
	[dreg:$0x19] =	wrdreg s14  }
0x1b1: {  	[tilespmem:s11+$0x180] =	vst v44  }
0x1b2: {  	[tilespmem:s21+$0x8000] =	vst v26  }
0x1b3: {  	[tilespmem:s10+$0x8000] =	vst v46  }
0x1b4: {  	[tilespmem:s15+$0x8000] =	vst v48  }
0x1b5: {  	[tilespmem:s26+$0x8000] =	vst v49  }
0x1b6: {  	[tilespmem:s29+$0x0] =	vst v50  }
0x1b7: {  	s0 =	sor.u32 $0x30, s6;
	s6 =	sld [smem:$0x7C4]  }
0x1b8: {  	v14 =	vadd.f32 v54, v52;
	v16 =	vadd.f32 v42, v38  }
0x1b9: {  	v20 =	vadd.f32 v31, v47;
	s11 =	sor.u32 s1, s9;
	s21 =	sor.u32 s1, s4  }
0x1ba: {  	v36 =	vadd.f32 v57, v55;
	s10 =	sor.u32 s1, s24;
	v14 =	vadd.f32 v14, v16;
	v16 =	vld [tilespmem:s14+$0x0];
	s14 =	sor.u32 s1, s5;
	s1 =	sor.u32 s1, s25;
	[tilespmem:s6+$0x0] =	vst v51  }
0x1bb: {  	v32 =	vadd.f32 v20, v21;
	v21 =	vmul.f32 v31, v12;
	v31 =	vmul.f32 v57, v18;
	v57 =	vld [tilespmem:s1+$0x0];
	s26 =	smov.u32 s1;
	s1 =	sld [smem:$0x7C5];
	_ =	sdelay $0x2  }
0x1bc: {  	[tilespmem:s1+$0x0] =	vst v53  }
0x1bd: {  	s1 =	sld [smem:$0x7C6];
	_ =	sdelay $0x2  }
0x1be: {  	[tilespmem:s1+$0x0] =	vst v17  }
0x1bf: {  	s1 =	sld [smem:$0x7C7];
	_ =	sdelay $0x1  }
0x1c0: {  	v13 =	vmul.f32 v13, v18;
	v28 =	vmul.f32 v38, v12;
	v38 =	vld [tilespmem:s14+$0x0]  }
0x1c1: {  	v63 =	vmul.f32 v43, v12;
	v24 =	vmul.f32 v47, v12;
	[tilespmem:s1+$0x0] =	vst v56  }
0x1c2: {  	v9 =	vsub.f32 v9, v0;
	v25 =	vmul.f32 v52, v12;
	v23 =	vmul.f32 v54, v12;
	v52 =	vld [tilespmem:s11+$0x0];
	s1 =	sld [smem:$0x7C8]  }
0x1c3: {  	v20 =	vmul.f32 v45, v12;
	v22 =	vmul.f32 v42, v12;
	v54 =	vld [tilespmem:s21+$0x0];
	v14 =	vadd.f32 v14, v32  }
0x1c4: {  	v12 =	vadd.f32 v61, v40;
	v26 =	vadd.f32 v34, v33;
	v32 =	vmul.f32 v55, v18;
	v55 =	vld [tilespmem:s10+$0x0]  }
0x1c5: {  	s16 =	sor.u32 s0, s16;
	v19 =	vmul.f32 v19, v9;
	v14 =	vadd.f32 v14, v15;
	v15 =	vadd.f32 v38, v16;
	[tilespmem:s1+$0x0] =	vst v58  }
0x1c6: {  	v42 =	vmul.f32 v61, v18;
	v12 =	vadd.f32 v12, v36;
	v36 =	vmul.f32 v40, v18;
	v48 =	vld [tilespmem:s16+$0x100];
	s1 =	sld [smem:$0x7C9]  }
0x1c7: {  	v10 =	vmul.f32 v14, v10;
	v47 =	vadd.f32 v15, v26;
	v26 =	vmul.f32 v38, v18;
	v38 =	vld [tilespmem:s16+$0x180]  }
0x1c8: {  	v49 =	vadd.f32 v27, v12;
	v12 =	vmul.f32 v33, v18;
	v33 =	vld [tilespmem:s16+$0x0];
	v61 =	vadd.f32 v54, v52  }
0x1c9: {  	s15 =	smov.u32 s21;
	s21 =	sor.u32 s0, s19;
	v14 =	vmul.f32 v34, v18;
	v34 =	vld [tilespmem:s16+$0x80];
	v50 =	vadd.f32 v10, v29;
	v56 =	vadd.f32 v57, v55;
	[tilespmem:s1+$0x0] =	vst v59  }
0x1ca: {  	s29 =	smov.u32 s14;
	s14 =	sor.u32 s0, s18;
	v15 =	vmul.f32 v16, v18;
	v16 =	vmul.f32 v52, v18;
	v52 =	vld [tilespmem:s21+$0x0];
	v51 =	vadd.f32 v10, v41;
	s19 =	sld [smem:$0x7CA]  }
0x1cb: {  	v27 =	vmul.f32 v54, v18;
	s6 =	sor.u32 s0, s2;
	v29 =	vmul.f32 v57, v18;
	v57 =	vld [tilespmem:s14+$0x0];
	v58 =	vadd.f32 v56, v61;
	[tilespmem:s7+$0x0] =	vst v50  }
0x1cc: {  	s2 =	sor.u32 s0, s9;
	v43 =	vld [tilespmem:s6+$0x0];
	v63 =	vadd.f32 v10, v63;
	v41 =	vmul.f32 v38, v9;
	v61 =	vadd.f32 v10, v60;
	[tilespmem:s7+$0x80] =	vst v51  }
0x1cd: {  	s9 =	smov.u32 s23;
	s23 =	sor.u32 s0, s4;
	s4 =	sor.u32 s0, s24;
	v45 =	vld [tilespmem:s2+$0x0];
	v17 =	vmul.f32 v55, v18;
	v18 =	vmul.f32 v33, v9;
	v40 =	vadd.f32 v58, v47;
	[tilespmem:s19+$0x0] =	vst v62  }
0x1ce: {  	v47 =	vld [tilespmem:s23+$0x0];
	s1 =	sor.u32 s0, s5;
	v59 =	vadd.f32 v34, v33;
	v33 =	vmul.f32 v34, v9;
	v34 =	vmul.f32 v48, v9;
	s5 =	sor.u32 s0, s25;
	s0 =	sld [smem:$0x7CB];
	[tilespmem:s7+$0x100] =	vst v61  }
0x1cf: {  	s18 =	smov.u32 s11;
	s24 =	smov.u32 s10;
	s10 =	smov.u32 s3;
	v44 =	vld [tilespmem:s1+$0x0];
	v51 =	vadd.f32 v40, v49;
	v40 =	vmul.f32 v52, v9;
	v62 =	vadd.f32 v38, v48;
	[tilespmem:s7+$0x180] =	vst v63  }
0x1d0: {  	s25 =	simm.s32 $0x0;
	v50 =	vadd.f32 v57, v52;
	v49 =	vld [tilespmem:s5+$0x0];
	v38 =	vmul.f32 v35, v9;
	v35 =	vmul.f32 v39, v9;
	s7 =	smov.u32 s8;
	s8 =	sld [smem:$0x7CC]  }
0x1d1: {  	s3 =	simm.s32 $0x10870;
	v48 =	vld [tilespmem:s4+$0x0];
	v39 =	vmul.f32 v37, v9;
	v37 =	vmul.f32 v57, v9;
	v46 =	vadd.f32 v62, v59;
	[smem:$0x7CD] =	sst s25;
	s25 =	simm.s32 $0x0  }
.LBB2_4:
0x1d2: {  	[smem:$0x7AA] =	sst s6  }
0x1d3: {  	[smem:$0x7A9] =	sst s14  }
0x1d4: {  	[smem:$0x7B1] =	sst s5  }
0x1d5: {  	[smem:$0x7AF] =	sst s4;
	v52 =	vld [tilespmem:s3+$0xFFFFFFE0];
	v4 =	vadd.f32 v10, v4;
	v62 =	vadd.f32 v10, v7  }
0x1d6: {  	[smem:$0x7AB] =	sst s1;
	v24 =	vadd.f32 v10, v24;
	v11 =	vadd.f32 v11, v46  }
0x1d7: {  	s1 =	rddreg [dreg:$0x1e];
	v51 =	vmul.f32 v51, v1;
	v1 =	vld [tilespmem:s3+$0x0];
	v53 =	vadd.f32 v44, v43;
	v43 =	vmul.f32 v43, v9  }
0x1d8: {  	[smem:$0x7AD] =	sst s2;
	v54 =	vld [tilespmem:s3+$0xFFFFFFF0];
	[tilespmem:s1+$0x8000] =	vst v4;
	v4 =	vadd.f32 v10, v5;
	v46 =	vmul.f32 v44, v9;
	v44 =	vmul.f32 v45, v9  }
0x1d9: {  	s2 =	rddreg [dreg:$0x1d];
	v55 =	vadd.f32 v47, v45;
	v45 =	vmul.f32 v47, v9;
	v5 =	vmul.f32 v48, v9  }
0x1da: {  	s4 =	rddreg [dreg:$0x1c];
	v63 =	vadd.f32 v49, v48;
	v7 =	vmul.f32 v49, v9;
	[tilespmem:s2+$0x8000] =	vst v4;
	v4 =	vadd.f32 v10, v8  }
0x1db: {  	s5 =	rddreg [dreg:$0x1f];
	v8 =	vadd.f32 v10, v30;
	v9 =	vadd.f32 v10, v20;
	v30 =	vadd.s32 $0x130, v52;
	[tilespmem:s4+$0x8000] =	vst v62  }
0x1dc: {  	[smem:$0x7A5] =	sst s31;
	s19 =	simm.s32 $0x12800;
	v50 =	vadd.f32 v53, v50;
	v20 =	vadd.f32 v63, v55;
	[tilespmem:s5+$0x8000] =	vst v4  }
0x1dd: {  	[smem:$0x7AE] =	sst s23;
	v21 =	vadd.f32 v10, v21;
	v28 =	vadd.f32 v10, v28;
	v53 =	vadd.s32 $0x130, v54;
	v4 =	vld.idx.msk [tilespmem:v52+s19+$0x0], $0xffff;
	[tilespmem:s17+$0x0] =	vst v8  }
0x1de: {  	[smem:$0x7A7] =	sst s21;
	v22 =	vadd.f32 v10, v22;
	v20 =	vadd.f32 v20, v50;
	[tilespmem:s22+$0x0] =	vst v9  }
0x1df: {  	[smem:$0x7C1] =	sst s3;
	v25 =	vadd.f32 v10, v25;
	v23 =	vadd.f32 v10, v23;
	s30 =	sadd.s32 $0x200, s30;
	v9 =	vld.idx.msk [tilespmem:v1+s19+$0x0], $0xffff;
	[tilespmem:s12+$0x0] =	vst v24  }
0x1e0: {  	[dreg:$0xa] =	wrdreg s30;
	v55 =	vadd.s32 $0x130, v1;
	v1 =	vadd.f32 v20, v11;
	v11 =	vadd.f32 v51, v32;
	v10 =	vld.idx.msk [tilespmem:v30+s19+$0x0], $0xffff;
	[tilespmem:s0+$0x0] =	vst v21  }
0x1e1: {  	s3 =	rddreg [dreg:$0x12];
	s25 =	sadd.s32 $0x40, s25;
	v8 =	vld.idx.msk [tilespmem:v54+s19+$0x0], $0xffff;
	v20 =	vadd.f32 v51, v31;
	[tilespmem:s8+$0x0] =	vst v28  }
0x1e2: {  	s11 =	sand.u32 $0x3C00, s30;
	[smem:$0x7C2] =	sst s25;
	v24 =	vadd.f32 v51, v36;
	v36 =	vmul.f32 v1, v0;
	v1 =	vld.idx.msk [tilespmem:v53+s19+$0x0], $0xffff;
	[tilespmem:s13+$0x0] =	vst v11  }
0x1e3: {  	s6 =	sand.u32 $0x7C0, s25;
	s2 =	sor.u32 $0xC080, s11;
	[tilespmem:s10+$0x0] =	vst v22;
	s10 =	sand.u32 $0x40, s25  }
0x1e4: {  	[tilespmem:s13+$0x80] =	vst v20;
	v22 =	vadd.f32 v51, v2;
	v2 =	vld [tilespmem:s6+$0x10800];
	s6 =	rddreg [dreg:$0x13];
	s22 =	sor.u32 s10, s2  }
0x1e5: {  	s8 =	sor.u32 $0x8000, s11;
	[tilespmem:s28+$0x0] =	vst v25;
	s17 =	sor.u32 $0x20, s10;
	[smem:$0x7B9] =	sst s22  }
0x1e6: {  	v28 =	vadd.f32 v51, v42;
	s31 =	sor.u32 $0x30, s10;
	[tilespmem:s9+$0x0] =	vst v23;
	v23 =	vadd.f32 v51, v12;
	s9 =	sor.u32 s17, s8;
	v12 =	vld [tilespmem:s22+$0x0];
	s22 =	rddreg [dreg:$0x16]  }
0x1e7: {  	[tilespmem:s13+$0x100] =	vst v24;
	s1 =	sor.u32 $0x10, s10;
	v60 =	vadd.f32 v36, v18;
	s12 =	sor.u32 s31, s8;
	[smem:$0x7A6] =	sst s9  }
0x1e8: {  	[tilespmem:s13+$0x180] =	vst v28;
	v61 =	vadd.f32 v36, v33;
	s13 =	sor.u32 $0xC100, s11;
	s23 =	sor.u32 s1, s2;
	[smem:$0x7A8] =	sst s12  }
0x1e9: {  	v0 =	vld.idx.msk [tilespmem:v55+s19+$0x0], $0xffff;
	v62 =	vadd.f32 v36, v34;
	s4 =	sor.u32 s10, s13;
	[smem:$0x7B2] =	sst s23;
	[tilespmem:s16+$0x0] =	vst v60  }
0x1ea: {  	v41 =	vadd.f32 v36, v41;
	s5 =	sor.u32 s1, s13;
	[smem:$0x7BA] =	sst s4;
	[tilespmem:s16+$0x80] =	vst v61  }
0x1eb: {  	p0 =	por !p0, !p0;
	s9 =	sor.u32 $0xC000, s11;
	[smem:$0x7B0] =	sst s5;
	[tilespmem:s16+$0x100] =	vst v62  }
0x1ec: {  	s28 =	sor.u32 s10, s8;
	[tilespmem:s16+$0x180] =	vst v41;
	s16 =	sld [smem:$0x7A5];
	s14 =	sor.u32 s10, s9  }
0x1ed: {  	s23 =	sor.u32 $0xC180, s11;
	s21 =	sor.u32 s1, s9;
	[smem:$0x7B8] =	sst s14  }
0x1ee: {  	s25 =	sor.u32 s1, s8;
	s8 =	sor.u32 s10, s23;
	[smem:$0x7AC] =	sst s21  }
0x1ef: {  	v30 =	vadd.f32 v51, v3;
	[tilespmem:s3+$0x8000] =	vst v22;
	s3 =	simm.s32 $0x1;
	s12 =	sor.u32 s1, s23;
	[smem:$0x7BB] =	sst s8  }
0x1f0: {  	v31 =	vadd.f32 v51, v13;
	v13 =	vld [tilespmem:s4+$0x0];
	s4 =	sor.u32 $0xC200, s11;
	s5 =	sor.u32 $0xC280, s11;
	[smem:$0x7CB] =	sst s12  }
0x1f1: {  	[tilespmem:s6+$0x8000] =	vst v30;
	s3 =	simm.s32 @!p0 $0x0;
	s6 =	sor.u32 s10, s5;
	v11 =	vld [tilespmem:s14+$0x0];
	s14 =	rddreg [dreg:$0x18]  }
0x1f2: {  	v25 =	vadd.f32 v51, v6;
	s3 =	sshll.u32 s3, $0x6;
	s21 =	sor.u32 s10, s4;
	[smem:$0x7BD] =	sst s6  }
0x1f3: {  	v56 =	vadd.f32 v51, v14;
	v14 =	vld [tilespmem:s8+$0x0];
	s12 =	sor.u32 $0xC300, s11;
	s3 =	sadd.s32 s3, s30;
	[smem:$0x7BC] =	sst s21  }
0x1f4: {  	v58 =	vadd.f32 v51, v16;
	[tilespmem:s14+$0x8000] =	vst v25;
	v16 =	vld [tilespmem:s21+$0x0];
	s8 =	sor.u32 s10, s12;
	s14 =	rddreg [dreg:$0x19];
	s21 =	sadd.s32 $0x10, s3  }
0x1f5: {  	[tilespmem:s22+$0x8000] =	vst v31;
	[smem:$0x7BE] =	sst s8;
	s22 =	sor.u32 $0xC380, s11;
	s11 =	sor.u32 s1, s4  }
0x1f6: {  	s0 =	sor.u32 $0x380, s21;
	[smem:$0x7CC] =	sst s11  }
0x1f7: {  	s10 =	sor.u32 s10, s22;
	[dreg:$0x1f] =	wrdreg s0  }
0x1f8: {  	[tilespmem:s20+$0x0] =	vst v23;
	s20 =	sor.u32 $0x200, s3;
	[smem:$0x7C0] =	sst s10  }
0x1f9: {  	v3 =	vld [tilespmem:s28+$0x0];
	s11 =	sor.u32 $0x200, s21;
	[smem:$0x7B4] =	sst s20  }
0x1fa: {  	v63 =	vadd.f32 v36, v19;
	v19 =	vld [tilespmem:s10+$0x0];
	s10 =	sor.u32 $0x280, s3;
	[dreg:$0x1e] =	wrdreg s11  }
0x1fb: {  	v15 =	vadd.f32 v51, v15;
	v23 =	vld [tilespmem:s20+$0x8000];
	s20 =	sor.u32 $0x280, s21;
	[smem:$0x7B5] =	sst s10  }
0x1fc: {  	v57 =	vadd.f32 v51, v26;
	v21 =	vld [tilespmem:s28+$0x80];
	[tilespmem:s7+$0x0] =	vst v56;
	s7 =	sor.u32 $0x300, s21;
	s21 =	sor.u32 s1, s12;
	[dreg:$0x1d] =	wrdreg s20  }
0x1fd: {  	v18 =	vld [tilespmem:s8+$0x0];
	s8 =	sadd.s32 $0x20, s3;
	[tilespmem:s14+$0x0] =	vst v15;
	[smem:$0x7B3] =	sst s21  }
0x1fe: {  	v59 =	vadd.f32 v51, v17;
	v17 =	vld [tilespmem:s6+$0x0];
	s6 =	sor.u32 s17, s2;
	s14 =	sor.u32 $0x300, s8;
	[dreg:$0x1c] =	wrdreg s7;
	[tilespmem:s29+$0x0] =	vst v57  }
0x1ff: {  	v27 =	vadd.f32 v51, v27;
	v24 =	vld [tilespmem:s10+$0x8000];
	s10 =	sor.u32 s1, s5;
	[dreg:$0x18] =	wrdreg s14;
	[tilespmem:s18+$0x0] =	vst v58;
	s18 =	sor.u32 $0x300, s3  }
0x200: {  	v60 =	vld [tilespmem:s0+$0x8000];
	s29 =	sadd.s32 $0x30, s3;
	s3 =	sor.u32 $0x380, s3;
	[smem:$0x7B6] =	sst s18  }
0x201: {  	[tilespmem:s15+$0x0] =	vst v27;
	[smem:$0x7B7] =	sst s3;
	v27 =	vld [tilespmem:s3+$0x8000];
	s3 =	sor.u32 s1, s22;
	s1 =	sor.u32 s17, s13  }
0x202: {  	v30 =	vadd.f32 v36, v5;
	v5 =	vadd.s32 $0x130, v2;
	s0 =	sor.u32 s31, s9;
	v55 =	vld [tilespmem:s7+$0x8000];
	s7 =	sor.u32 s17, s23;
	[dreg:$0x19] =	wrdreg s1  }
0x203: {  	v25 =	vld [tilespmem:s18+$0x8000];
	s18 =	sor.u32 $0x200, s8;
	[tilespmem:s24+$0x0] =	vst v59;
	s24 =	sor.u32 s17, s9;
	s9 =	rddreg [dreg:$0x10]  }
0x204: {  	v50 =	vld [tilespmem:s20+$0x8000];
	s20 =	sor.u32 s17, s5;
	s15 =	sor.u32 $0x280, s8;
	[dreg:$0x12] =	wrdreg s18  }
0x205: {  	v29 =	vadd.f32 v51, v29;
	v2 =	vld.idx.msk [tilespmem:v2+s19+$0x0], $0xffff;
	s30 =	sor.u32 $0x280, s29;
	s8 =	sor.u32 $0x380, s8;
	[dreg:$0x13] =	wrdreg s15  }
0x206: {  	v22 =	vadd.f32 v36, v7;
	v7 =	vld [tilespmem:s11+$0x8000];
	s11 =	sor.u32 $0x300, s29;
	s21 =	sor.u32 $0x380, s29;
	[dreg:$0x16] =	wrdreg s8  }
0x207: {  	v58 =	vld.idx.msk [tilespmem:v5+s19+$0x0], $0xffff;
	s19 =	sor.u32 s17, s22;
	[tilespmem:s26+$0x0] =	vst v29;
	s26 =	sor.u32 $0x200, s29;
	[smem:$0x7BF] =	sst s24  }
0x208: {  	v20 =	vld [tilespmem:s28+$0x100];
	s29 =	sor.u32 s17, s4;
	s24 =	sor.u32 s17, s12;
	s17 =	rddreg [dreg:$0xf]  }
0x209: {  	v38 =	vadd.f32 v36, v38;
	v35 =	vadd.f32 v36, v35;
	s5 =	sor.u32 s31, s5;
	s22 =	sor.u32 s31, s22;
	v62 =	vld [tilespmem:s18+$0x8000];
	s18 =	sld [smem:$0x7C3]  }
0x20a: {  	v39 =	vadd.f32 v36, v39;
	v26 =	vadd.f32 v36, v40;
	v6 =	vld [tilespmem:s28+$0x180];
	s1 =	sor.u32 s31, s2;
	[tilespmem:s17+$0x8000] =	vst v63;
	s17 =	sor.u32 s31, s23;
	s23 =	sld [smem:$0x7A6]  }
0x20b: {  	v33 =	vadd.f32 v36, v37;
	v34 =	vadd.f32 v36, v43;
	s2 =	sor.u32 s31, s13;
	s4 =	sor.u32 s31, s4;
	v63 =	vld [tilespmem:s15+$0x8000];
	s15 =	sld [smem:$0x7CD]  }
0x20c: {  	v32 =	vadd.f32 v36, v46;
	v28 =	vadd.f32 v36, v45;
	s12 =	sor.u32 s31, s12;
	s31 =	smov.u32 s11;
	s11 =	sld [smem:$0x7B1]  }
0x20d: {  	v31 =	vadd.f32 v36, v44;
	v15 =	vsub.f32 v4, v10;
	[tilespmem:s9+$0x8000] =	vst v38;
	s9 =	smov.u32 s3;
	s3 =	smov.u32 s20;
	s20 =	sld [smem:$0x7AB]  }
0x20e: {  	v4 =	vadd.f32 v21, v3;
	v51 =	vadd.f32 v12, v11;
	[tilespmem:s16+$0x8000] =	vst v35;
	s16 =	sld [smem:$0x7A7]  }
0x20f: {  	v54 =	vadd.f32 v14, v13;
	v56 =	vadd.f32 v17, v16;
	[tilespmem:s18+$0x8000] =	vst v39;
	s13 =	smov.u32 s23;
	s18 =	sld [smem:$0x7A8]  }
0x210: {  	v57 =	vadd.f32 v19, v18;
	v29 =	vadd.f32 v6, v20;
	v47 =	vld [tilespmem:s14+$0x8000];
	s14 =	sadd.s32 $0x4, s15;
	s23 =	smov.u32 s26;
	s26 =	sld [smem:$0x7A9]  }
0x211: {  	v5 =	vadd.f32 v24, v23;
	v59 =	vadd.f32 v27, v25;
	s15 =	smov.u32 s21;
	s21 =	smov.u32 s0;
	s0 =	sld [smem:$0x7CB]  }
0x212: {  	v37 =	vadd.f32 v54, v51;
	v43 =	vadd.f32 v57, v56;
	[smem:$0x7CD] =	sst s14  }
0x213: {  	v51 =	vld [tilespmem:s10+$0x0];
	v29 =	vadd.f32 v29, v4;
	v61 =	vadd.f32 v59, v5;
	p1 =	slt.u32 s14, $0x7C;
	[dreg:$0xf] =	wrdreg s23  }
0x214: {  	v54 =	vadd.f32 v60, v55;
	v37 =	vadd.f32 v43, v37;
	s14 =	sld [smem:$0x7AA];
	[tilespmem:s16+$0x0] =	vst v26;
	v26 =	vld [tilespmem:s8+$0x8000];
	s16 =	smov.u32 s18;
	s18 =	smov.u32 s29  }
0x215: {  	v46 =	vadd.f32 v61, v29;
	v29 =	vsub.f32 v8, v1;
	v8 =	vmul.f32 v60, v15;
	s29 =	smov.u32 s7;
	s7 =	smov.u32 s6;
	s6 =	smov.u32 s2;
	v60 =	vld [tilespmem:s25+$0x80]  }
0x216: {  	v36 =	vadd.f32 v50, v7;
	v48 =	vsub.f32 v2, v58;
	v5 =	vmul.f32 v50, v15;
	[tilespmem:s26+$0x0] =	vst v33;
	s2 =	smov.u32 s4;
	s4 =	smov.u32 s12;
	s12 =	sld [smem:$0x7B0];
	v50 =	vld [tilespmem:s0+$0x0]  }
0x217: {  	v4 =	vmul.f32 v7, v15;
	v7 =	vmul.f32 v55, v15;
	s8 =	smov.u32 s30;
	v53 =	vadd.f32 v37, v46;
	v37 =	vld [tilespmem:s23+$0x8000];
	[tilespmem:s14+$0x0] =	vst v34;
	s23 =	sld [smem:$0x7AD]  }
0x218: {  	v56 =	vmul.f32 v3, v48;
	v21 =	vmul.f32 v21, v48;
	[smem:$0x7C3] =	sst s15;
	v35 =	vld [tilespmem:s8+$0x8000]  }
0x219: {  	v20 =	vmul.f32 v20, v48;
	v24 =	vmul.f32 v24, v48;
	s26 =	sld [smem:$0x7AE];
	[tilespmem:s20+$0x0] =	vst v32;
	v49 =	vld [tilespmem:s12+$0x0]  }
0x21a: {  	v12 =	vmul.f32 v12, v48;
	v55 =	vmul.f32 v53, v58;
	v39 =	vld [tilespmem:s31+$0x8000];
	[tilespmem:s23+$0x0] =	vst v31;
	s23 =	smov.u32 s5;
	s5 =	sld [smem:$0x7AF]  }
0x21b: {  	v9 =	vsub.f32 v9, v0;
	v13 =	vmul.f32 v13, v48;
	v14 =	vmul.f32 v14, v48;
	[dreg:$0x10] =	wrdreg s8;
	v58 =	vld [tilespmem:s25+$0x0]  }
0x21c: {  	v16 =	vmul.f32 v16, v48;
	v57 =	vadd.f32 v63, v62;
	s14 =	smov.u32 s1;
	s1 =	smov.u32 s17;
	s17 =	sld [smem:$0x7AC];
	v40 =	vld [tilespmem:s15+$0x8000];
	[tilespmem:s26+$0x0] =	vst v28;
	v28 =	vadd.f32 v55, v56  }
0x21d: {  	v2 =	vmul.f32 v62, v29;
	v3 =	vmul.f32 v63, v29;
	s8 =	sld [smem:$0x7CC];
	v59 =	vadd.f32 v26, v47;
	v53 =	vld [tilespmem:s13+$0x0];
	[tilespmem:s5+$0x0] =	vst v30  }
0x21e: {  	s20 =	sld [smem:$0x7B5];
	v31 =	vadd.f32 v54, v36;
	v54 =	vld [tilespmem:s13+$0x100];
	v21 =	vadd.f32 v55, v21;
	v30 =	vmul.f32 v6, v48;
	[tilespmem:s28+$0x0] =	vst v28  }
0x21f: {  	v20 =	vadd.f32 v55, v20;
	v61 =	vadd.f32 v59, v57;
	s5 =	smov.u32 s22;
	s22 =	sld [smem:$0x7B2];
	[tilespmem:s11+$0x0] =	vst v22;
	v22 =	vmul.f32 v23, v48;
	v23 =	vld [tilespmem:s25+$0x100]  }
0x220: {  	v41 =	vmul.f32 v60, v15;
	s15 =	sld [smem:$0x7B4];
	v12 =	vadd.f32 v55, v12;
	[tilespmem:s28+$0x80] =	vst v21;
	v21 =	vadd.f32 v55, v30;
	v30 =	vld [tilespmem:s25+$0x180]  }
0x221: {  	s26 =	sld [smem:$0x7B6];
	v13 =	vadd.f32 v55, v13;
	[tilespmem:s28+$0x100] =	vst v20;
	v20 =	vadd.f32 v55, v22;
	v22 =	vmul.f32 v25, v48;
	v25 =	vld [tilespmem:s17+$0x0]  }
0x222: {  	v6 =	vmul.f32 v47, v29;
	[tilespmem:s28+$0x180] =	vst v21;
	s28 =	sld [smem:$0x7B3];
	v21 =	vadd.f32 v55, v24;
	v24 =	vmul.f32 v27, v48;
	v27 =	vld [tilespmem:s22+$0x0]  }
0x223: {  	v56 =	vld [tilespmem:s29+$0x0];
	v28 =	vadd.f32 v35, v37;
	[tilespmem:s15+$0x8000] =	vst v20;
	v20 =	vadd.f32 v55, v22;
	v22 =	vmul.f32 v11, v48;
	s15 =	sld [smem:$0x7B7]  }
0x224: {  	v57 =	vld [tilespmem:s24+$0x0];
	v38 =	vmul.f32 v35, v9;
	v34 =	vadd.f32 v60, v58;
	[tilespmem:s20+$0x8000] =	vst v21;
	v21 =	vadd.f32 v55, v24;
	s20 =	sld [smem:$0x7B8]  }
0x225: {  	v63 =	vmul.f32 v58, v15;
	v58 =	vld [tilespmem:s19+$0x0];
	v62 =	vadd.f32 v40, v39;
	[tilespmem:s26+$0x8000] =	vst v20;
	v20 =	vadd.f32 v55, v22;
	s26 =	sld [smem:$0x7B9]  }
0x226: {  	v32 =	vmul.f32 v53, v29;
	v35 =	vmul.f32 v39, v9;
	v22 =	vld [tilespmem:s8+$0x0];
	v24 =	vadd.f32 v30, v23;
	[tilespmem:s15+$0x8000] =	vst v21;
	s15 =	sld [smem:$0x7BA]  }
0x227: {  	v36 =	vmul.f32 v54, v29;
	v11 =	vadd.f32 v62, v28;
	v52 =	vld [tilespmem:s28+$0x0];
	[tilespmem:s20+$0x0] =	vst v20;
	v20 =	vadd.f32 v27, v25;
	s20 =	sld [smem:$0x7BB]  }
0x228: {  	v21 =	vadd.f32 v24, v34;
	[tilespmem:s26+$0x0] =	vst v12;
	v12 =	vadd.f32 v55, v14;
	v14 =	vmul.f32 v17, v48;
	v17 =	vld [tilespmem:s9+$0x0];
	s26 =	sld [smem:$0x7BC]  }
0x229: {  	v62 =	vld [tilespmem:s16+$0x100];
	[tilespmem:s15+$0x0] =	vst v13;
	v13 =	vadd.f32 v55, v16;
	v16 =	vmul.f32 v18, v48;
	v18 =	vadd.f32 v50, v49;
	s15 =	sld [smem:$0x7BD]  }
0x22a: {  	[tilespmem:s20+$0x0] =	vst v12;
	v12 =	vadd.f32 v55, v14;
	v14 =	vmul.f32 v19, v48;
	v19 =	vadd.f32 v31, v21;
	v31 =	vld [tilespmem:s13+$0x80];
	s20 =	sld [smem:$0x7BE]  }
0x22b: {  	v39 =	vmul.f32 v40, v9;
	v46 =	vmul.f32 v23, v15;
	v48 =	vld [tilespmem:s3+$0x0];
	[tilespmem:s26+$0x0] =	vst v13;
	v13 =	vadd.f32 v55, v16;
	s26 =	sld [smem:$0x7BF]  }
0x22c: {  	v47 =	vmul.f32 v30, v15;
	[tilespmem:s15+$0x0] =	vst v12;
	v12 =	vadd.f32 v55, v14;
	v14 =	vadd.f32 v18, v20;
	v18 =	vld [tilespmem:s13+$0x180];
	s15 =	sld [smem:$0x7C0]  }
0x22d: {  	v30 =	vmul.f32 v25, v15;
	v16 =	vadd.f32 v51, v22;
	v55 =	vld [tilespmem:s7+$0x0];
	[tilespmem:s20+$0x0] =	vst v13;
	v13 =	vadd.f32 v17, v52  }
0x22e: {  	v24 =	vmul.f32 v49, v15;
	v23 =	vmul.f32 v17, v15;
	v17 =	vld [tilespmem:s18+$0x0]  }
0x22f: {  	v34 =	vmul.f32 v62, v9;
	v20 =	vmul.f32 v27, v15;
	s20 =	smov.u32 s26;
	v27 =	vld [tilespmem:s26+$0x0];
	s26 =	rddreg [dreg:$0x19];
	[tilespmem:s15+$0x0] =	vst v12;
	v12 =	vadd.f32 v13, v16  }
0x230: {  	v45 =	vadd.f32 v58, v57;
	v21 =	vmul.f32 v50, v15;
	v28 =	vmul.f32 v22, v15;
	v16 =	vld [tilespmem:s26+$0x0]  }
0x231: {  	v25 =	vmul.f32 v52, v15;
	v22 =	vmul.f32 v51, v15;
	v12 =	vadd.f32 v12, v14  }
0x232: {  	v13 =	vadd.f32 v31, v53;
	v31 =	vmul.f32 v31, v29;
	v14 =	vadd.f32 v18, v54  }
0x233: {  	v42 =	vmul.f32 v18, v29;
	v60 =	vadd.f32 v48, v17;
	v19 =	vadd.f32 v12, v19  }
0x234: {  	v59 =	vld [tilespmem:s16+$0x0];
	v15 =	vadd.f32 v55, v27;
	v14 =	vadd.f32 v14, v13;
	v13 =	vmul.f32 v26, v29  }
0x235: {  	v53 =	vld [tilespmem:s21+$0x0];
	v12 =	vmul.f32 v27, v29;
	v18 =	vadd.f32 v56, v16;
	v10 =	vmul.f32 v19, v10  }
0x236: {  	v26 =	vmul.f32 v56, v29;
	v27 =	vmul.f32 v48, v29;
	v49 =	vadd.f32 v61, v14;
	v19 =	vld [tilespmem:s16+$0x80]  }
0x237: {  	v14 =	vmul.f32 v55, v29;
	v61 =	vadd.f32 v18, v15;
	v18 =	vadd.f32 v10, v63;
	v63 =	vld [tilespmem:s16+$0x180]  }
0x238: {  	v43 =	vld [tilespmem:s6+$0x0];
	v15 =	vmul.f32 v16, v29;
	v16 =	vmul.f32 v17, v29  }
0x239: {  	v17 =	vmul.f32 v57, v29;
	v29 =	vmul.f32 v58, v29;
	v57 =	vld [tilespmem:s14+$0x0];
	v58 =	vadd.f32 v45, v60  }
.Ltmp1:
0x23a: {  	v44 =	vld [tilespmem:s1+$0x0];
	v40 =	vmul.f32 v53, v9;
	v48 =	vadd.f32 v10, v41;
	v60 =	vadd.f32 v10, v46;
	(pc) =	sbr.rel @p1 .LBB2_4-.Ltmp1, $4  }
0x23b: {  	s11 =	sld [smem:$0x7C1];
	v45 =	vld [tilespmem:s2+$0x0];
	v61 =	vadd.f32 v58, v61;
	[tilespmem:s25+$0x0] =	vst v18;
	v18 =	vmul.f32 v59, v9;
	v59 =	vadd.f32 v19, v59  }
0x23c: {  	[tilespmem:s25+$0x80] =	vst v48;
	v48 =	vld [tilespmem:s4+$0x0];
	v62 =	vadd.f32 v63, v62;
	v41 =	vmul.f32 v63, v9;
	v63 =	vadd.f32 v10, v47  }
0x23d: {  	s30 =	rddreg [dreg:$0xa];
	s15 =	smov.u32 s3;
	[tilespmem:s25+$0x100] =	vst v60;
	v33 =	vmul.f32 v19, v9;
	v19 =	vmul.f32 v37, v9;
	v51 =	vadd.f32 v61, v49;
	v49 =	vld [tilespmem:s5+$0x0]  }
0x23e: {  	s26 =	smov.u32 s19;
	s3 =	sadd.s32 $0x40, s11;
	v50 =	vadd.f32 v57, v53;
	v37 =	vmul.f32 v57, v9;
	v47 =	vld [tilespmem:s23+$0x0];
	v46 =	vadd.f32 v62, v59;
	[tilespmem:s25+$0x180] =	vst v63;
	s25 =	sld [smem:$0x7C2]  }
0x23f: {  	v4 =	vadd.f32 v10, v4  }
0x240: {  	s3 =	rddreg [dreg:$0x1e]  }
0x241: {  	v5 =	vadd.f32 v10, v5;
	[tilespmem:s3+$0x8000] =	vst v4  }
0x242: {  	v1 =	vmul.f32 v51, v1;
	s3 =	rddreg [dreg:$0x1d]  }
0x243: {  	v63 =	vadd.f32 v10, v7;
	[tilespmem:s3+$0x8000] =	vst v5  }
0x244: {  	v59 =	vadd.f32 v1, v32;
	s3 =	rddreg [dreg:$0x1c]  }
0x245: {  	v60 =	vadd.f32 v1, v31;
	[tilespmem:s3+$0x8000] =	vst v63  }
0x246: {  	v61 =	vadd.f32 v1, v36;
	s3 =	rddreg [dreg:$0x1f];
	[tilespmem:s13+$0x0] =	vst v59  }
0x247: {  	v62 =	vadd.f32 v1, v42;
	[tilespmem:s13+$0x80] =	vst v60  }
0x248: {  	v8 =	vadd.f32 v10, v8;
	[tilespmem:s13+$0x100] =	vst v61  }
0x249: {  	v30 =	vadd.f32 v10, v30;
	[tilespmem:s13+$0x180] =	vst v62  }
0x24a: {  	v52 =	vadd.f32 v10, v20;
	[tilespmem:s3+$0x8000] =	vst v8  }
0x24b: {  	v53 =	vadd.f32 v10, v24;
	[tilespmem:s17+$0x0] =	vst v30  }
0x24c: {  	v54 =	vadd.f32 v10, v21;
	[tilespmem:s22+$0x0] =	vst v52  }
0x24d: {  	v55 =	vadd.f32 v10, v28;
	[tilespmem:s12+$0x0] =	vst v53  }
0x24e: {  	v56 =	vadd.f32 v10, v22;
	[tilespmem:s0+$0x0] =	vst v54  }
0x24f: {  	v57 =	vadd.f32 v10, v25;
	[tilespmem:s8+$0x0] =	vst v55  }
0x250: {  	v58 =	vadd.f32 v10, v23;
	[tilespmem:s10+$0x0] =	vst v56  }
0x251: {  	[tilespmem:s28+$0x0] =	vst v57  }
0x252: {  	v2 =	vadd.f32 v1, v2;
	v20 =	vadd.f32 v49, v48;
	[tilespmem:s9+$0x0] =	vst v58  }
0x253: {  	v10 =	vadd.f32 v47, v45;
	v63 =	vadd.f32 v44, v43;
	s0 =	rddreg [dreg:$0x12]  }
0x254: {  	v3 =	vadd.f32 v1, v3;
	[tilespmem:s0+$0x8000] =	vst v2  }
0x255: {  	v21 =	vadd.f32 v63, v50;
	v2 =	vadd.f32 v20, v10;
	s0 =	rddreg [dreg:$0x13]  }
0x256: {  	v6 =	vadd.f32 v1, v6;
	[tilespmem:s0+$0x8000] =	vst v3  }
0x257: {  	v24 =	vadd.f32 v11, v46;
	v2 =	vadd.f32 v2, v21;
	s0 =	rddreg [dreg:$0x18]  }
0x258: {  	v22 =	vadd.f32 v1, v13;
	[tilespmem:s0+$0x8000] =	vst v6  }
0x259: {  	v23 =	vadd.f32 v1, v12;
	v2 =	vadd.f32 v2, v24;
	s0 =	rddreg [dreg:$0x16]  }
0x25a: {  	v25 =	vadd.f32 v1, v14;
	[tilespmem:s0+$0x8000] =	vst v22  }
0x25b: {  	v0 =	vmul.f32 v2, v0;
	[tilespmem:s20+$0x0] =	vst v23  }
0x25c: {  	v28 =	vadd.f32 v1, v15;
	[tilespmem:s7+$0x0] =	vst v25  }
0x25d: {  	v42 =	vadd.f32 v0, v18;
	s0 =	rddreg [dreg:$0x19]  }
0x25e: {  	v46 =	vadd.f32 v0, v33;
	[tilespmem:s0+$0x0] =	vst v28  }
0x25f: {  	v50 =	vadd.f32 v0, v34;
	[tilespmem:s16+$0x0] =	vst v42  }
0x260: {  	v51 =	vadd.f32 v0, v41;
	[tilespmem:s16+$0x80] =	vst v46  }
0x261: {  	v30 =	vadd.f32 v1, v26;
	[tilespmem:s16+$0x100] =	vst v50  }
0x262: {  	v31 =	vadd.f32 v1, v16;
	[tilespmem:s16+$0x180] =	vst v51  }
0x263: {  	v32 =	vadd.f32 v1, v27;
	[tilespmem:s29+$0x0] =	vst v30  }
0x264: {  	v36 =	vadd.f32 v1, v17;
	[tilespmem:s18+$0x0] =	vst v31  }
0x265: {  	v1 =	vadd.f32 v1, v29;
	[tilespmem:s15+$0x0] =	vst v32  }
0x266: {  	[tilespmem:s24+$0x0] =	vst v36  }
0x267: {  	v52 =	vadd.f32 v0, v19;
	[tilespmem:s26+$0x0] =	vst v1  }
0x268: {  	s0 =	rddreg [dreg:$0xf]  }
0x269: {  	v53 =	vadd.f32 v0, v38;
	[tilespmem:s0+$0x8000] =	vst v52  }
0x26a: {  	v54 =	vadd.f32 v0, v35;
	s0 =	rddreg [dreg:$0x10]  }
0x26b: {  	[tilespmem:s0+$0x8000] =	vst v53  }
0x26c: {  	[tilespmem:s31+$0x8000] =	vst v54  }
0x26d: {  	s0 =	sld [smem:$0x7C3]  }
0x26e: {  	v55 =	vadd.f32 v0, v39  }
0x26f: {  	v56 =	vmul.f32 v43, v9;
	v57 =	vadd.f32 v0, v40  }
0x270: {  	v58 =	vmul.f32 v44, v9;
	v59 =	vadd.f32 v0, v37;
	[tilespmem:s0+$0x8000] =	vst v55  }
0x271: {  	v60 =	vmul.f32 v45, v9;
	v1 =	vadd.f32 v0, v56;
	[tilespmem:s21+$0x0] =	vst v57  }
0x272: {  	v61 =	vmul.f32 v47, v9;
	v2 =	vadd.f32 v0, v58;
	[tilespmem:s14+$0x0] =	vst v59  }
0x273: {  	v62 =	vmul.f32 v48, v9;
	v3 =	vadd.f32 v0, v60;
	[tilespmem:s6+$0x0] =	vst v1  }
0x274: {  	v63 =	vmul.f32 v49, v9;
	v4 =	vadd.f32 v0, v61;
	[tilespmem:s1+$0x0] =	vst v2  }
0x275: {  	v1 =	vadd.f32 v0, v62;
	[tilespmem:s2+$0x0] =	vst v3  }
0x276: {  	v0 =	vadd.f32 v0, v63;
	[tilespmem:s23+$0x0] =	vst v4  }
0x277: {  	[tilespmem:s4+$0x0] =	vst v1  }
0x278: {  	[tilespmem:s5+$0x0] =	vst v0  }
0x279: {  	s0 =	sld [smem:$0x7FC]  }
0x27a: {  	s3 =	simm.s32 $0x8000  }
0x27b: {  	s28 =	simm.s32 $0x3;
	s1 =	simm.s32 $0x4000;
	s2 =	simm.s32 $0x100000  }
0x27c: {  	[hbm4b:s0+s1] =	stream.strided.scatter [tilespmem:s3], [sflag:$0x4], $0x8000, s2, s1, $0x38;
	[tilespmem:$0x12A80] =	vst v63  }
0x27d: {  	_ =	swait.ge [sflag:s28], $0x8000  }
0x27e: {  	[sflag:s28] =	ssyncset.done $0x0  }
0x27f: {  	s29 =	simm.s32 $0x4;
	[sflag:s28] =	ssyncadd.s32 $0xFFFF8000  }
0x280: {  	_ =	swait.ge [sflag:s29], $0x8000  }
0x281: {  	s30 =	sld [smem:$0x7EB]  }
0x282: {  	s31 =	sld [smem:$0x7FD];
	_ =	sdelay $0x1  }
0x283: {  	s5 =	sadd.s32 $0x1, s30  }
0x284: {  	p0 =	sne.s32 s5, s31  }
.Ltmp2:
0x285: {  	_ = 	snop;
	(pc) =	sbr.rel @p0 .LBB2_1-.Ltmp2, $3  }
0x286: {  	_ =	sdelay $0x1  }
0x287: {  	[sflag:s29] =	ssyncset.done $0x0  }
0x288: {  	s6 =	simm.s32 $0x12800;
	[sflag:s29] =	ssyncadd.s32 $0xFFFF8000  }
0x289: {  	_ =	sfence.sel $0x180000  }
0x28a: {  	[bflag:$0x0] =	sbarrier.arrive $0xFFFF  }
0x28b: {  	_ =	strace $0x90000047  }
0x28c: {  	s0 =	stileid.u32;
	[bflag:$0x2] =	sbarrier.arrive $0xFFFF  }
0x28d: {  	p0 =	sne.s32 s0, $0x0;
	s0 =	rddreg [dreg:$0x4]  }
0x28e: {  	s0 =	sadd.s32 @!p0 $0x100000, s0  }
0x28f: {  	[sflag:s0] =	ssyncadd.tile.s32 @!p0 $0x1;
	_ =	shalt  }
.Lfunc_end2:
_tile_overlayer_lowered:
.L_overlay_start_2:
0x290: {  	(tag) =	ssettag $0x2  }
0x291: {  	s0 =	rddreg [dreg:$0x0];
	s2 =	stileid.u32  }
0x292: {  	s1 =	rddreg [dreg:$0x1];
	p0 =	sne.s32 s2, $0x0  }
0x293: {  	s3 =	rddreg [dreg:$0x2];
	[bflag:$0x3] =	sbarrier.arrive $0xFFFF;
	s2 =	simm.s32 @!p0 $0x1C06  }
0x294: {  	[timem:s3], [sflag:s2] =	dma.local @!p0 [hbm:s0], s1  }
0x295: {  	s0 =	simm.s32 @!p0 $0x6  }
0x296: {  	_ =	swait.ge @!p0 [sflag:s0], s1  }
0x297: {  	s1 =	ssub.s32 @!p0 $0x0, s1;
	[sflag:s0] =	ssyncset.done @!p0 $0x0  }
0x298: {  	[sflag:s0] =	ssyncadd.s32 @!p0 s1  }
0x299: {  	[bflag:$0x3] =	sbarrier.arrive $0xFFFF  }
0x29a: {  	_ =	shalt  }

</sc_bundles>
